<compile_context>
chip_gen: v7x
topology: tpu7x:2x2x1
jax: 0.10.2.dev20260603
libtpu: 0.0.44.dev20260713+nightly
codegen_flags: <defaults>
</compile_context>

<pallas_src>
import functools

import jax
import jax.numpy as jnp
from jax import lax
from jax.experimental import pallas as pl
from jax.experimental.pallas import tpu as pltpu
from jax.experimental.pallas import tpu_sc as plsc

_NC = 2
_NS = 16
_NW = _NC * _NS
_L = 16
_G = 64


def _mesh():
    return plsc.VectorSubcoreMesh(core_axis_name="c", subcore_axis_name="s",
                                  num_cores=_NC, num_subcores=_NS)


def _pad_rows(N):
    return -(-N // (8 * _NS)) * (8 * _NS)


def _tc_deg(dst_row, N, EB):
    E = dst_row.shape[1]
    HI = -(-N // 128)
    grid = E // EB

    def body(dr_ref, o_ref):
        i = pl.program_id(0)

        @pl.when(i == 0)
        def _init():
            o_ref[...] = jnp.zeros_like(o_ref)

        d = dr_ref[...]
        oh_hi = (lax.broadcasted_iota(jnp.int32, (HI, 1), 0) == d // 128
                 ).astype(jnp.float32)
        oh_lo = (lax.broadcasted_iota(jnp.int32, (128, 1), 0) == d % 128
                 ).astype(jnp.float32)
        o_ref[...] += lax.dot_general(
            oh_lo, oh_hi, (((1,), (1,)), ((), ())),
            preferred_element_type=jnp.float32)

        @pl.when(i == grid - 1)
        def _finish():
            o_ref[...] = lax.rsqrt(o_ref[...] + 1.0)

    return pl.pallas_call(
        body,
        grid=(grid,),
        in_specs=[pl.BlockSpec((1, EB), lambda i: (0, i))],
        out_specs=pl.BlockSpec((128, HI), lambda i: (0, 0)),
        out_shape=jax.ShapeDtypeStruct((128, HI), jnp.float32),
    )(dst_row)


@functools.lru_cache(maxsize=None)
def _make_agg_kernel(N, F, K, NCHUNK):
    NP = _pad_rows(N)
    RT = NP // _NS
    NB, NQ = 4, 8
    NG = NCHUNK // NQ
    assert NCHUNK % NQ == 0

    @functools.partial(
        pl.kernel,
        out_type=jax.ShapeDtypeStruct((_NC, NP, F), jnp.float32),
        mesh=_mesh(),
        scratch_types=(
            [pltpu.VMEM_SHARED((NP, F), jnp.float32)]
            + [pltpu.VMEM((K, F), jnp.float32) for _ in range(NB)]
            + [pltpu.VMEM((NQ, 2, K), jnp.int32)]
            + [pltpu.SemaphoreType.DMA] * (2 * NB + NQ)
        ),
    )
    def agg_kernel(y_hbm, e_hbm, z_hbm, out_hbm, acc, *rest):
        rows = rest[:NB]
        slots = rest[NB]
        gsem = rest[NB + 1: NB + 1 + NB]
        ssem = rest[NB + 1 + NB: NB + 1 + 2 * NB]
        isem = rest[NB + 1 + 2 * NB:]
        c_ax = lax.axis_index("c")
        s_ax = lax.axis_index("s")
        wid = s_ax * _NC + c_ax

        pltpu.sync_copy(z_hbm.at[pl.ds(s_ax * RT, RT), :],
                        acc.at[pl.ds(s_ax * RT, RT), :])
        plsc.subcore_barrier()

        def idx_load(ci, q):
            return pltpu.async_copy(e_hbm.at[wid, ci], slots.at[q], isem[q])

        def gather(q, b):
            return pltpu.async_copy(y_hbm.at[slots.at[q, 0]], rows[b], gsem[b])

        def scatter(q, b):
            return pltpu.async_copy(rows[b], acc.at[slots.at[q, 1]], ssem[b],
                                    add=True)

        for q in range(NQ):
            idx_load(q, q)
        pltpu.make_async_copy(e_hbm.at[wid, 0], slots.at[0], isem[0]).wait()
        gather(0, 0)
        pltpu.make_async_copy(e_hbm.at[wid, 1], slots.at[1], isem[1]).wait()
        gather(1, 1)

        def group(g, carry):
            for k in range(NQ):
                b, q = k % NB, k
                b2, q2 = (k - 2) % NB, (k - 2) % NQ
                pltpu.make_async_copy(y_hbm.at[slots.at[q, 0]], rows[b],
                                      gsem[b]).wait()
                scatter(q, b)

                def _wait_sc():
                    pltpu.make_async_copy(rows[b2], acc.at[slots.at[q2, 1]],
                                          ssem[b2]).wait()
                if k >= 2:
                    _wait_sc()
                else:
                    pl.when(g > 0)(_wait_sc)

                def _iload():
                    idx_load(g * NQ + k + 6, q2)
                if k >= 2:
                    pl.when(g * NQ + k + 6 < NCHUNK)(_iload)
                else:
                    pl.when(jnp.logical_and(
                        g > 0, g * NQ + k + 6 < NCHUNK))(_iload)

                q3 = (k + 2) % NQ
                def _gath():
                    pltpu.make_async_copy(e_hbm.at[wid, g * NQ + k + 2],
                                          slots.at[q3], isem[q3]).wait()
                    gather(q3, b2)
                if k < NQ - 2:
                    _gath()
                else:
                    pl.when(g < NG - 1)(_gath)
            return carry

        lax.fori_loop(0, NG, group, 0)

        for k in (NQ - 2, NQ - 1):
            pltpu.make_async_copy(rows[k % NB], acc.at[slots.at[k, 1]],
                                  ssem[k % NB]).wait()

        plsc.subcore_barrier()
        pltpu.sync_copy(acc.at[pl.ds(s_ax * RT, RT), :],
                        out_hbm.at[c_ax, pl.ds(s_ax * RT, RT), :])

    return agg_kernel


@functools.lru_cache(maxsize=None)
def _make_agg_serial(N, F, K, NCHUNK):
    NP = _pad_rows(N)
    RT = NP // _NS

    @functools.partial(
        pl.kernel,
        out_type=jax.ShapeDtypeStruct((_NC, NP, F), jnp.float32),
        mesh=_mesh(),
        scratch_types=[
            pltpu.VMEM_SHARED((NP, F), jnp.float32),
            pltpu.VMEM((2, K), jnp.int32),
            pltpu.VMEM((K, F), jnp.float32),
            pltpu.SemaphoreType.DMA,
        ],
    )
    def agg_kernel(y_hbm, e_hbm, z_hbm, out_hbm, acc, slot, rows, sem):
        c_ax = lax.axis_index("c")
        s_ax = lax.axis_index("s")
        wid = s_ax * _NC + c_ax

        pltpu.sync_copy(z_hbm.at[pl.ds(s_ax * RT, RT), :],
                        acc.at[pl.ds(s_ax * RT, RT), :])
        plsc.subcore_barrier()

        def chunk(ci, carry):
            pltpu.sync_copy(e_hbm.at[wid, ci], slot)
            pltpu.async_copy(y_hbm.at[slot.at[0]], rows, sem).wait()
            pltpu.sync_copy(rows, acc.at[slot.at[1]], add=True)
            return carry
        lax.fori_loop(0, NCHUNK, chunk, 0)

        plsc.subcore_barrier()
        pltpu.sync_copy(acc.at[pl.ds(s_ax * RT, RT), :],
                        out_hbm.at[c_ax, pl.ds(s_ax * RT, RT), :])

    return agg_kernel


@functools.lru_cache(maxsize=None)
def _make_agg_pair(N, F, K, NCA, NCB):
    NP = _pad_rows(N)
    RT = NP // _NS
    NCHUNK = max(NCA, NCB)
    assert NCA % 2 == 0 and NCB % 2 == 0

    @functools.partial(
        pl.kernel,
        out_type=jax.ShapeDtypeStruct((_NC, NP, F), jnp.float32),
        mesh=_mesh(),
        scratch_types=[
            pltpu.VMEM_SHARED((NP, F), jnp.float32),
            pltpu.VMEM((2, 2, K), jnp.int32),
            pltpu.VMEM((K, F), jnp.float32),
            pltpu.VMEM((K, F), jnp.float32),
            pltpu.SemaphoreType.DMA,
            pltpu.SemaphoreType.DMA,
            pltpu.SemaphoreType.DMA,
            pltpu.SemaphoreType.DMA,
        ],
    )
    def agg_kernel(y_hbm, e_hbm, z_hbm, out_hbm,
                   acc, slots, rows0, rows1, gsem0, gsem1, isem0, isem1):
        c_ax = lax.axis_index("c")
        s_ax = lax.axis_index("s")
        wid = s_ax * _NC + c_ax

        npair = jnp.where(c_ax == 0, NCA // 2, NCB // 2)

        pltpu.sync_copy(z_hbm.at[pl.ds(s_ax * RT, RT), :],
                        acc.at[pl.ds(s_ax * RT, RT), :])
        plsc.subcore_barrier()

        pltpu.sync_copy(e_hbm.at[wid, 0], slots.at[0])
        pltpu.sync_copy(e_hbm.at[wid, 1], slots.at[1])
        pltpu.async_copy(y_hbm.at[slots.at[0, 0]], rows0, gsem0)

        def pair(p, carry):
            c0 = 2 * p
            pltpu.make_async_copy(y_hbm.at[slots.at[0, 0]], rows0,
                                  gsem0).wait()
            pltpu.async_copy(y_hbm.at[slots.at[1, 0]], rows1, gsem1)
            pltpu.sync_copy(rows0, acc.at[slots.at[0, 1]], add=True)

            def _pre0():
                pltpu.async_copy(e_hbm.at[wid, c0 + 2], slots.at[0], isem0)
            pl.when(p < npair - 1)(_pre0)

            def _g2():
                pltpu.make_async_copy(e_hbm.at[wid, c0 + 2], slots.at[0],
                                      isem0).wait()
                pltpu.async_copy(y_hbm.at[slots.at[0, 0]], rows0, gsem0)
            pl.when(p < npair - 1)(_g2)

            pltpu.make_async_copy(y_hbm.at[slots.at[1, 0]], rows1,
                                  gsem1).wait()
            pltpu.sync_copy(rows1, acc.at[slots.at[1, 1]], add=True)

            def _pre1():
                pltpu.async_copy(e_hbm.at[wid, c0 + 3], slots.at[1], isem1)
                pltpu.make_async_copy(e_hbm.at[wid, c0 + 3], slots.at[1],
                                      isem1).wait()
            pl.when(p < npair - 1)(_pre1)
            return carry

        lax.fori_loop(0, npair, pair, 0)

        plsc.subcore_barrier()
        pltpu.sync_copy(acc.at[pl.ds(s_ax * RT, RT), :],
                        out_hbm.at[c_ax, pl.ds(s_ax * RT, RT), :])

    return agg_kernel


def _prep_edges(src, dst, N, K, NCA, NCB):
    E = src.shape[0]
    NCM = max(NCA, NCB)
    pad = _NS * (NCA + NCB) * K - E
    src_p = jnp.concatenate([src, jnp.zeros((pad,), src.dtype)])
    dst_p = jnp.concatenate([dst, jnp.full((pad,), N, dst.dtype)])

    def per_core(v):
        ea = _NS * NCA * K
        a = v[:ea].reshape(_NS, NCA, K)
        b = v[ea:].reshape(_NS, NCB, K)
        if NCA < NCM:
            a = jnp.pad(a, ((0, 0), (0, NCM - NCA), (0, 0)),
                        constant_values=0)
        if NCB < NCM:
            b = jnp.pad(b, ((0, 0), (0, NCM - NCB), (0, 0)),
                        constant_values=0)
        return jnp.stack([a, b], axis=1).reshape(_NW, NCM, 1, K)

    return jnp.concatenate([per_core(src_p), per_core(dst_p)], axis=2)


def _tc_first(dis, x, W):
    N, F = x.shape
    H = W.shape[1]

    def body(dis_ref, x_ref, w_ref, y_ref):
        xw = jnp.dot(x_ref[...], w_ref[...],
                     preferred_element_type=jnp.float32)
        y_ref[...] = dis_ref[...] * xw

    return pl.pallas_call(
        body,
        out_shape=jax.ShapeDtypeStruct((N, H), jnp.float32),
    )(dis, x, W)


def _tc_mid(sp, y, dis, b, W):
    N, H = y.shape

    def body(sp_ref, y_ref, dis_ref, b_ref, w_ref, o_ref):
        sagg = sp_ref[0][:N] + sp_ref[1][:N] + y_ref[...]
        h = jnp.maximum(dis_ref[...] * sagg + b_ref[...], 0.0)
        hw = jnp.dot(h, w_ref[...],
                     preferred_element_type=jnp.float32)
        o_ref[...] = dis_ref[...] * hw

    return pl.pallas_call(
        body,
        out_shape=jax.ShapeDtypeStruct((N, W.shape[1]), jnp.float32),
    )(sp, y, dis, b, W)


def _tc_final(sp, y, dis, b, batch2d, Wh1, bh1, Wh2, bh2):
    N, H = y.shape

    def body(sp_ref, y_ref, dis_ref, b_ref, bt_ref,
             w1_ref, b1_ref, w2_ref, b2_ref, o_ref):
        h2 = jnp.maximum(
            dis_ref[...] * (sp_ref[0][:N] + sp_ref[1][:N] + y_ref[...])
            + b_ref[...],
            0.0)
        gids = lax.broadcasted_iota(jnp.int32, (_G, 1), 0)
        oh = (gids == bt_ref[...]).astype(jnp.float32)
        cnt = jnp.sum(oh, axis=1, keepdims=True)
        summ = jnp.dot(oh, h2,
                       preferred_element_type=jnp.float32,
                       precision=lax.Precision.HIGHEST)
        pooled = summ / jnp.maximum(cnt, 1.0)
        t = jnp.maximum(
            jnp.dot(pooled, w1_ref[...],
                    preferred_element_type=jnp.float32) + b1_ref[...],
            0.0)
        o_ref[...] = jnp.dot(t, w2_ref[...],
                             preferred_element_type=jnp.float32) + b2_ref[...]

    return pl.pallas_call(
        body,
        out_shape=jax.ShapeDtypeStruct((_G, 1), jnp.float32),
    )(sp, y, dis, b, batch2d, Wh1, bh1, Wh2, bh2)


def kernel(x, edge_index, batch, W1, b1, W2, b2, Wh1, bh1, Wh2, bh2):
    N, F = x.shape
    E = edge_index.shape[1]
    K = 80

    src = edge_index[0]
    dst = edge_index[1]

    dis_matT = _tc_deg(dst.reshape(1, E), N, 12800)
    dis = dis_matT.T.reshape(-1, 1)[:N]
    y1 = _tc_first(dis, x.astype(jnp.float32), W1)
    z = jnp.zeros((_pad_rows(N), F), jnp.float32)
    e_il = _prep_edges(src, dst, N, K, 126, 124)
    agg = _make_agg_pair(N, F, K, 126, 124)
    s1p = agg(y1, e_il, z)
    y2 = _tc_mid(s1p, y1, dis, b1, W2)
    s2p = agg(y2, e_il, z)
    out = _tc_final(s2p, y2, dis, b2,
                    batch.reshape(1, N).astype(jnp.int32),
                    Wh1, bh1, Wh2, bh2)
    return out

# --- scband reference (transcript-rebuilt; emitter-appended) ---
"""Pipeline reference for scband-mean-gcn-81363860455711 (READ-ONLY COPY).

The authoritative reference and input builder live on the scoring server;
editing this copy changes nothing except your own understanding.
"""

import jax, jax.numpy as jnp
import numpy as np

N = 10000
E = 320000
F = 128
H = 128
G = 64


def setup_inputs(seed: int = 0):
    key = jax.random.key(seed)
    ks = jax.random.split(key, 12)
    x = jax.random.normal(ks[0], (N, F), dtype=jnp.float32)
    edge_index = jax.random.randint(ks[1], (2, E), 0, N)
    batch = jnp.sort(jax.random.randint(ks[2], (N,), 0, G))
    W1 = jax.random.normal(ks[3], (F, H), dtype=jnp.float32) / np.sqrt(F)
    b1 = jnp.zeros((H,), dtype=jnp.float32)
    W2 = jax.random.normal(ks[4], (H, H), dtype=jnp.float32) / np.sqrt(H)
    b2 = jnp.zeros((H,), dtype=jnp.float32)
    Wh1 = jax.random.normal(ks[5], (H, 64), dtype=jnp.float32) / np.sqrt(H)
    bh1 = jnp.zeros((64,), dtype=jnp.float32)
    Wh2 = jax.random.normal(ks[6], (64, 1), dtype=jnp.float32) / np.sqrt(64)
    bh2 = jnp.zeros((1,), dtype=jnp.float32)
    return {"x": x, "edge_index": edge_index, "batch": batch,
            "W1": W1, "b1": b1, "W2": W2, "b2": b2,
            "Wh1": Wh1, "bh1": bh1, "Wh2": Wh2, "bh2": bh2}


def _gcn_conv(x, W, b, src, dst, num_nodes):
    # PyG GCNConv: add self-loops, symmetric normalization D^-1/2 (A+I) D^-1/2, then linear
    x = x @ W
    loop = jnp.arange(num_nodes, dtype=src.dtype)
    src_sl = jnp.concatenate([src, loop])
    dst_sl = jnp.concatenate([dst, loop])
    deg = jax.ops.segment_sum(jnp.ones_like(dst_sl, dtype=x.dtype), dst_sl, num_segments=num_nodes)
    dis = jnp.where(deg > 0, 1.0 / jnp.sqrt(deg), 0.0)
    norm = dis[src_sl] * dis[dst_sl]
    msg = x[src_sl] * norm[:, None]
    out = jax.ops.segment_sum(msg, dst_sl, num_segments=num_nodes)
    return out + b


def reference(x, edge_index, batch, W1, b1, W2, b2, Wh1, bh1, Wh2, bh2):
    src = edge_index[0]
    dst = edge_index[1]
    h = _gcn_conv(x.astype(jnp.float32), W1, b1, src, dst, N)
    h = jax.nn.relu(h)
    # dropout is identity in eval/reference mode
    h = _gcn_conv(h, W2, b2, src, dst, N)
    h = jax.nn.relu(h)
    # global_mean_pool over batch assignment
    cnt = jax.ops.segment_sum(jnp.ones((N,), dtype=h.dtype), batch, num_segments=G)
    summ = jax.ops.segment_sum(h, batch, num_segments=G)
    pooled = summ / jnp.maximum(cnt, 1.0)[:, None]
    out = jax.nn.relu(pooled @ Wh1 + bh1)
    out = out @ Wh2 + bh2
    return out

if __name__ == "__main__":
    import jax
    _d = setup_inputs()
    print(jax.jit(kernel)(*tuple(_d.values())))

</pallas_src>

<mosaic_0001>
#map = affine_map<(d0, d1) -> (0, 0)>
#map1 = affine_map<(d0, d1) -> (0, 0, 0, 0)>
#map2 = affine_map<(d0, d1) -> (0, 0, 0)>
module attributes {stable_mosaic.version = 14 : i64} {
  func.func @agg_kernel(%arg0: i32, %arg1: i32, %arg2: memref<10000x128xf32, #tpu.memory_space<hbm>>, %arg3: memref<32x126x2x80xi32, #tpu.memory_space<hbm>>, %arg4: memref<10112x128xf32, #tpu.memory_space<hbm>>, %arg5: memref<2x10112x128xf32, #tpu.memory_space<hbm>>, %arg6: memref<10112x128xf32, #tpu.memory_space<vmem_shared>>, %arg7: memref<2x2x80xi32, #tpu.memory_space<vmem>>, %arg8: memref<80x128xf32, #tpu.memory_space<vmem>>, %arg9: memref<80x128xf32, #tpu.memory_space<vmem>>, %arg10: memref<!tpu.dma_semaphore, #tpu.memory_space<semaphore_mem>>, %arg11: memref<!tpu.dma_semaphore, #tpu.memory_space<semaphore_mem>>, %arg12: memref<!tpu.dma_semaphore, #tpu.memory_space<semaphore_mem>>, %arg13: memref<!tpu.dma_semaphore, #tpu.memory_space<semaphore_mem>>) attributes {dimension_semantics = [#tpu.dimension_semantics<core_parallel>, #tpu.dimension_semantics<subcore_parallel>], iteration_bounds = array<i64: 2, 16>, scalar_prefetch = 0 : i64, scratch_operands = 8 : i64, tpu.core_type = #tpu.core_type<sc_vector_subcore>, window_params = [{transform_indices = #map}, {transform_indices = #map1}, {transform_indices = #map}, {transform_indices = #map2}]} {
    %mul3A = arith.constant 2 : i32
    %mul3A_0 = arith.muli %arg1, %mul3A : i32
    %add3A = arith.addi %mul3A_0, %arg0 : i32
    %eq3A = arith.constant 0 : i32
    %eq3A_1 = arith.cmpi eq, %arg0, %eq3A : i32
    %jit3A = arith.constant 63 : i32
    %jit3A_2 = arith.constant 62 : i32
    %select_n3A = arith.select %eq3A_1, %jit3A, %jit3A_2 : i32
    %mul3A_3 = arith.constant 632 : i32
    %mul3A_4 = arith.muli %arg1, %mul3A_3 : i32
    %mul3A_5 = arith.constant 632 : i32
    %mul3A_6 = arith.muli %arg1, %mul3A_5 : i32
    "tpu.region"() ({
      %run_scoped3A_31 = tpu.sem_alloc : memref<!tpu.dma_semaphore, #tpu.memory_space<semaphore_mem>>
      %dma_start3A_32 = arith.constant 0 : i32
      %dma_start3A_33 = tpu.memref_slice %arg6[%mul3A_6, %dma_start3A_32] : memref<10112x128xf32, #tpu.memory_space<vmem_shared>> -> memref<632x128xf32, #tpu.memory_space<vmem_shared>>
      %dma_start3A_34 = arith.constant 0 : i32
      %dma_start3A_35 = tpu.memref_slice %arg4[%mul3A_4, %dma_start3A_34] : memref<10112x128xf32, #tpu.memory_space<hbm>> -> memref<632x128xf32, #tpu.memory_space<hbm>>
      tpu.enqueue_dma source(%dma_start3A_35 : memref<632x128xf32, #tpu.memory_space<hbm>>) target(%dma_start3A_33 : memref<632x128xf32, #tpu.memory_space<vmem_shared>>) target_semaphore(%run_scoped3A_31 : memref<!tpu.dma_semaphore, #tpu.memory_space<semaphore_mem>>)
      %dma_wait3A = arith.constant 0 : i32
      %dma_wait3A_36 = tpu.memref_slice %arg6[%mul3A_6, %dma_wait3A] : memref<10112x128xf32, #tpu.memory_space<vmem_shared>> -> memref<632x128xf32, #tpu.memory_space<vmem_shared>>
      %dma_wait3A_37 = arith.constant 0 : i32
      %dma_wait3A_38 = tpu.memref_slice %arg4[%mul3A_4, %dma_wait3A_37] : memref<10112x128xf32, #tpu.memory_space<hbm>> -> memref<632x128xf32, #tpu.memory_space<hbm>>
      tpu.wait_dma2 semaphore(%run_scoped3A_31 : memref<!tpu.dma_semaphore, #tpu.memory_space<semaphore_mem>>) src(%dma_wait3A_38 : memref<632x128xf32, #tpu.memory_space<hbm>>) dst(%dma_wait3A_36 : memref<632x128xf32, #tpu.memory_space<vmem_shared>>)
      tpu.yield
    }) : () -> ()
    %barrier3A = arith.constant 0 : index
    tpu.barrier barrier_id(%barrier3A)
    %run_scoped3A = arith.constant 0 : i32
    %run_scoped3A_7 = arith.constant 0 : i32
    "tpu.region"() ({
      %run_scoped3A_31 = tpu.sem_alloc : memref<!tpu.dma_semaphore, #tpu.memory_space<semaphore_mem>>
      %dma_start3A_32 = arith.constant 0 : i32
      %dma_start3A_33 = arith.constant 0 : i32
      %dma_start3A_34 = tpu.memref_slice %arg7[%run_scoped3A_7, %dma_start3A_32, %dma_start3A_33] : memref<2x2x80xi32, #tpu.memory_space<vmem>> -> memref<1x2x80xi32, #tpu.memory_space<vmem>>
      %dma_start3A_35 = tpu.memref_squeeze %dma_start3A_34 : memref<1x2x80xi32, #tpu.memory_space<vmem>> -> memref<2x80xi32, #tpu.memory_space<vmem>>
      %dma_start3A_36 = arith.constant 0 : i32
      %dma_start3A_37 = arith.constant 0 : i32
      %dma_start3A_38 = tpu.memref_slice %arg3[%add3A, %run_scoped3A, %dma_start3A_36, %dma_start3A_37] : memref<32x126x2x80xi32, #tpu.memory_space<hbm>> -> memref<1x1x2x80xi32, #tpu.memory_space<hbm>>
      %dma_start3A_39 = tpu.memref_squeeze %dma_start3A_38 : memref<1x1x2x80xi32, #tpu.memory_space<hbm>> -> memref<2x80xi32, #tpu.memory_space<hbm>>
      %dma_start3A_40 = arith.constant 0 : i32
      %dma_start3A_41 = arith.constant 0 : i32
      %dma_start3A_42 = tpu.memref_slice %arg7[%run_scoped3A_7, %dma_start3A_40, %dma_start3A_41] : memref<2x2x80xi32, #tpu.memory_space<vmem>> -> memref<1x2x80xi32, #tpu.memory_space<vmem>>
      %dma_start3A_43 = tpu.memref_squeeze %dma_start3A_42 : memref<1x2x80xi32, #tpu.memory_space<vmem>> -> memref<2x80xi32, #tpu.memory_space<vmem>>
      %dma_start3A_44 = arith.constant 0 : i32
      %dma_start3A_45 = arith.constant 0 : i32
      %dma_start3A_46 = tpu.memref_slice %arg3[%add3A, %run_scoped3A, %dma_start3A_44, %dma_start3A_45] : memref<32x126x2x80xi32, #tpu.memory_space<hbm>> -> memref<1x1x2x80xi32, #tpu.memory_space<hbm>>
      %dma_start3A_47 = tpu.memref_squeeze %dma_start3A_46 : memref<1x1x2x80xi32, #tpu.memory_space<hbm>> -> memref<2x80xi32, #tpu.memory_space<hbm>>
      tpu.enqueue_dma source(%dma_start3A_47 : memref<2x80xi32, #tpu.memory_space<hbm>>) target(%dma_start3A_43 : memref<2x80xi32, #tpu.memory_space<vmem>>) target_semaphore(%run_scoped3A_31 : memref<!tpu.dma_semaphore, #tpu.memory_space<semaphore_mem>>)
      %dma_wait3A = arith.constant 0 : i32
      %dma_wait3A_48 = arith.constant 0 : i32
      %dma_wait3A_49 = tpu.memref_slice %arg7[%run_scoped3A_7, %dma_wait3A, %dma_wait3A_48] : memref<2x2x80xi32, #tpu.memory_space<vmem>> -> memref<1x2x80xi32, #tpu.memory_space<vmem>>
      %dma_wait3A_50 = tpu.memref_squeeze %dma_wait3A_49 : memref<1x2x80xi32, #tpu.memory_space<vmem>> -> memref<2x80xi32, #tpu.memory_space<vmem>>
      %dma_wait3A_51 = arith.constant 0 : i32
      %dma_wait3A_52 = arith.constant 0 : i32
      %dma_wait3A_53 = tpu.memref_slice %arg3[%add3A, %run_scoped3A, %dma_wait3A_51, %dma_wait3A_52] : memref<32x126x2x80xi32, #tpu.memory_space<hbm>> -> memref<1x1x2x80xi32, #tpu.memory_space<hbm>>
      %dma_wait3A_54 = tpu.memref_squeeze %dma_wait3A_53 : memref<1x1x2x80xi32, #tpu.memory_space<hbm>> -> memref<2x80xi32, #tpu.memory_space<hbm>>
      %dma_wait3A_55 = arith.constant 0 : i32
      %dma_wait3A_56 = arith.constant 0 : i32
      %dma_wait3A_57 = tpu.memref_slice %arg7[%run_scoped3A_7, %dma_wait3A_55, %dma_wait3A_56] : memref<2x2x80xi32, #tpu.memory_space<vmem>> -> memref<1x2x80xi32, #tpu.memory_space<vmem>>
      %dma_wait3A_58 = tpu.memref_squeeze %dma_wait3A_57 : memref<1x2x80xi32, #tpu.memory_space<vmem>> -> memref<2x80xi32, #tpu.memory_space<vmem>>
      %dma_wait3A_59 = arith.constant 0 : i32
      %dma_wait3A_60 = arith.constant 0 : i32
      %dma_wait3A_61 = tpu.memref_slice %arg3[%add3A, %run_scoped3A, %dma_wait3A_59, %dma_wait3A_60] : memref<32x126x2x80xi32, #tpu.memory_space<hbm>> -> memref<1x1x2x80xi32, #tpu.memory_space<hbm>>
      %dma_wait3A_62 = tpu.memref_squeeze %dma_wait3A_61 : memref<1x1x2x80xi32, #tpu.memory_space<hbm>> -> memref<2x80xi32, #tpu.memory_space<hbm>>
      tpu.wait_dma2 semaphore(%run_scoped3A_31 : memref<!tpu.dma_semaphore, #tpu.memory_space<semaphore_mem>>) src(%dma_wait3A_62 : memref<2x80xi32, #tpu.memory_space<hbm>>) dst(%dma_wait3A_58 : memref<2x80xi32, #tpu.memory_space<vmem>>)
      tpu.yield
    }) : () -> ()
    %run_scoped3A_8 = arith.constant 1 : i32
    %run_scoped3A_9 = arith.constant 1 : i32
    "tpu.region"() ({
      %run_scoped3A_31 = tpu.sem_alloc : memref<!tpu.dma_semaphore, #tpu.memory_space<semaphore_mem>>
      %dma_start3A_32 = arith.constant 0 : i32
      %dma_start3A_33 = arith.constant 0 : i32
      %dma_start3A_34 = tpu.memref_slice %arg7[%run_scoped3A_9, %dma_start3A_32, %dma_start3A_33] : memref<2x2x80xi32, #tpu.memory_space<vmem>> -> memref<1x2x80xi32, #tpu.memory_space<vmem>>
      %dma_start3A_35 = tpu.memref_squeeze %dma_start3A_34 : memref<1x2x80xi32, #tpu.memory_space<vmem>> -> memref<2x80xi32, #tpu.memory_space<vmem>>
      %dma_start3A_36 = arith.constant 0 : i32
      %dma_start3A_37 = arith.constant 0 : i32
      %dma_start3A_38 = tpu.memref_slice %arg3[%add3A, %run_scoped3A_8, %dma_start3A_36, %dma_start3A_37] : memref<32x126x2x80xi32, #tpu.memory_space<hbm>> -> memref<1x1x2x80xi32, #tpu.memory_space<hbm>>
      %dma_start3A_39 = tpu.memref_squeeze %dma_start3A_38 : memref<1x1x2x80xi32, #tpu.memory_space<hbm>> -> memref<2x80xi32, #tpu.memory_space<hbm>>
      %dma_start3A_40 = arith.constant 0 : i32
      %dma_start3A_41 = arith.constant 0 : i32
      %dma_start3A_42 = tpu.memref_slice %arg7[%run_scoped3A_9, %dma_start3A_40, %dma_start3A_41] : memref<2x2x80xi32, #tpu.memory_space<vmem>> -> memref<1x2x80xi32, #tpu.memory_space<vmem>>
      %dma_start3A_43 = tpu.memref_squeeze %dma_start3A_42 : memref<1x2x80xi32, #tpu.memory_space<vmem>> -> memref<2x80xi32, #tpu.memory_space<vmem>>
      %dma_start3A_44 = arith.constant 0 : i32
      %dma_start3A_45 = arith.constant 0 : i32
      %dma_start3A_46 = tpu.memref_slice %arg3[%add3A, %run_scoped3A_8, %dma_start3A_44, %dma_start3A_45] : memref<32x126x2x80xi32, #tpu.memory_space<hbm>> -> memref<1x1x2x80xi32, #tpu.memory_space<hbm>>
      %dma_start3A_47 = tpu.memref_squeeze %dma_start3A_46 : memref<1x1x2x80xi32, #tpu.memory_space<hbm>> -> memref<2x80xi32, #tpu.memory_space<hbm>>
      tpu.enqueue_dma source(%dma_start3A_47 : memref<2x80xi32, #tpu.memory_space<hbm>>) target(%dma_start3A_43 : memref<2x80xi32, #tpu.memory_space<vmem>>) target_semaphore(%run_scoped3A_31 : memref<!tpu.dma_semaphore, #tpu.memory_space<semaphore_mem>>)
      %dma_wait3A = arith.constant 0 : i32
      %dma_wait3A_48 = arith.constant 0 : i32
      %dma_wait3A_49 = tpu.memref_slice %arg7[%run_scoped3A_9, %dma_wait3A, %dma_wait3A_48] : memref<2x2x80xi32, #tpu.memory_space<vmem>> -> memref<1x2x80xi32, #tpu.memory_space<vmem>>
      %dma_wait3A_50 = tpu.memref_squeeze %dma_wait3A_49 : memref<1x2x80xi32, #tpu.memory_space<vmem>> -> memref<2x80xi32, #tpu.memory_space<vmem>>
      %dma_wait3A_51 = arith.constant 0 : i32
      %dma_wait3A_52 = arith.constant 0 : i32
      %dma_wait3A_53 = tpu.memref_slice %arg3[%add3A, %run_scoped3A_8, %dma_wait3A_51, %dma_wait3A_52] : memref<32x126x2x80xi32, #tpu.memory_space<hbm>> -> memref<1x1x2x80xi32, #tpu.memory_space<hbm>>
      %dma_wait3A_54 = tpu.memref_squeeze %dma_wait3A_53 : memref<1x1x2x80xi32, #tpu.memory_space<hbm>> -> memref<2x80xi32, #tpu.memory_space<hbm>>
      %dma_wait3A_55 = arith.constant 0 : i32
      %dma_wait3A_56 = arith.constant 0 : i32
      %dma_wait3A_57 = tpu.memref_slice %arg7[%run_scoped3A_9, %dma_wait3A_55, %dma_wait3A_56] : memref<2x2x80xi32, #tpu.memory_space<vmem>> -> memref<1x2x80xi32, #tpu.memory_space<vmem>>
      %dma_wait3A_58 = tpu.memref_squeeze %dma_wait3A_57 : memref<1x2x80xi32, #tpu.memory_space<vmem>> -> memref<2x80xi32, #tpu.memory_space<vmem>>
      %dma_wait3A_59 = arith.constant 0 : i32
      %dma_wait3A_60 = arith.constant 0 : i32
      %dma_wait3A_61 = tpu.memref_slice %arg3[%add3A, %run_scoped3A_8, %dma_wait3A_59, %dma_wait3A_60] : memref<32x126x2x80xi32, #tpu.memory_space<hbm>> -> memref<1x1x2x80xi32, #tpu.memory_space<hbm>>
      %dma_wait3A_62 = tpu.memref_squeeze %dma_wait3A_61 : memref<1x1x2x80xi32, #tpu.memory_space<hbm>> -> memref<2x80xi32, #tpu.memory_space<hbm>>
      tpu.wait_dma2 semaphore(%run_scoped3A_31 : memref<!tpu.dma_semaphore, #tpu.memory_space<semaphore_mem>>) src(%dma_wait3A_62 : memref<2x80xi32, #tpu.memory_space<hbm>>) dst(%dma_wait3A_58 : memref<2x80xi32, #tpu.memory_space<vmem>>)
      tpu.yield
    }) : () -> ()
    %dma_start3A = arith.constant 0 : i32
    %dma_start3A_10 = arith.constant 0 : i32
    %dma_start3A_11 = arith.constant 0 : i32
    %dma_start3A_12 = tpu.memref_slice %arg7[%dma_start3A, %dma_start3A_10, %dma_start3A_11] : memref<2x2x80xi32, #tpu.memory_space<vmem>> -> memref<1x1x80xi32, #tpu.memory_space<vmem>>
    %dma_start3A_13 = tpu.memref_squeeze %dma_start3A_12 : memref<1x1x80xi32, #tpu.memory_space<vmem>> -> memref<80xi32, #tpu.memory_space<vmem>>
    %dma_start3A_14 = arith.constant 0 : i32
    %dma_start3A_15 = arith.constant 0 : i32
    %dma_start3A_16 = tpu.memref_slice %arg2[%dma_start3A_14, %dma_start3A_15] : memref<10000x128xf32, #tpu.memory_space<hbm>> -> memref<10000x128xf32, #tpu.memory_space<hbm>>
    tpu.enqueue_indirect_dma source(%dma_start3A_16 : memref<10000x128xf32, #tpu.memory_space<hbm>>) target(%arg8 : memref<80x128xf32, #tpu.memory_space<vmem>>) offsets(%dma_start3A_13 : memref<80xi32, #tpu.memory_space<vmem>>) semaphore(%arg10 : memref<!tpu.dma_semaphore, #tpu.memory_space<semaphore_mem>>)
    %while3A = arith.constant 0 : i32
    %while3A_17 = arith.constant 0 : i32
    %while3A_18 = arith.subi %select_n3A, %while3A_17 : i32
    %while3A_19 = arith.addi %while3A_17, %while3A_18 : i32
    %while3A_20 = arith.constant 1 : i32
    %while3A_21 = arith.divsi %while3A_18, %while3A_20 : i32
    %while3A_22 = arith.muli %while3A_21, %while3A_20 : i32
    %while3A_23 = arith.addi %while3A_17, %while3A_22 : i32
    %while3A_24 = arith.constant 1 : i32
    scf.for %while3A_31 = %while3A_17 to %while3A_23 step %while3A_24  : i32 {
      %mul3A_32 = arith.constant 2 : i32
      %mul3A_33 = arith.muli %mul3A_32, %while3A_31 : i32
      %dma_wait3A = arith.constant 0 : i32
      %dma_wait3A_34 = arith.constant 0 : i32
      %dma_wait3A_35 = arith.constant 0 : i32
      %dma_wait3A_36 = tpu.memref_slice %arg7[%dma_wait3A, %dma_wait3A_34, %dma_wait3A_35] : memref<2x2x80xi32, #tpu.memory_space<vmem>> -> memref<1x1x80xi32, #tpu.memory_space<vmem>>
      %dma_wait3A_37 = tpu.memref_squeeze %dma_wait3A_36 : memref<1x1x80xi32, #tpu.memory_space<vmem>> -> memref<80xi32, #tpu.memory_space<vmem>>
      %dma_wait3A_38 = arith.constant 0 : i32
      %dma_wait3A_39 = arith.constant 0 : i32
      %dma_wait3A_40 = tpu.memref_slice %arg2[%dma_wait3A_38, %dma_wait3A_39] : memref<10000x128xf32, #tpu.memory_space<hbm>> -> memref<10000x128xf32, #tpu.memory_space<hbm>>
      tpu.wait_indirect_dma semaphore(%arg10 : memref<!tpu.dma_semaphore, #tpu.memory_space<semaphore_mem>>) src(%dma_wait3A_40 : memref<10000x128xf32, #tpu.memory_space<hbm>>) dst(%arg8 : memref<80x128xf32, #tpu.memory_space<vmem>>)
      %dma_start3A_41 = arith.constant 1 : i32
      %dma_start3A_42 = arith.constant 0 : i32
      %dma_start3A_43 = arith.constant 0 : i32
      %dma_start3A_44 = tpu.memref_slice %arg7[%dma_start3A_41, %dma_start3A_42, %dma_start3A_43] : memref<2x2x80xi32, #tpu.memory_space<vmem>> -> memref<1x1x80xi32, #tpu.memory_space<vmem>>
      %dma_start3A_45 = tpu.memref_squeeze %dma_start3A_44 : memref<1x1x80xi32, #tpu.memory_space<vmem>> -> memref<80xi32, #tpu.memory_space<vmem>>
      %dma_start3A_46 = arith.constant 0 : i32
      %dma_start3A_47 = arith.constant 0 : i32
      %dma_start3A_48 = tpu.memref_slice %arg2[%dma_start3A_46, %dma_start3A_47] : memref<10000x128xf32, #tpu.memory_space<hbm>> -> memref<10000x128xf32, #tpu.memory_space<hbm>>
      tpu.enqueue_indirect_dma source(%dma_start3A_48 : memref<10000x128xf32, #tpu.memory_space<hbm>>) target(%arg9 : memref<80x128xf32, #tpu.memory_space<vmem>>) offsets(%dma_start3A_45 : memref<80xi32, #tpu.memory_space<vmem>>) semaphore(%arg11 : memref<!tpu.dma_semaphore, #tpu.memory_space<semaphore_mem>>)
      %run_scoped3A_49 = arith.constant 0 : i32
      %run_scoped3A_50 = arith.constant 1 : i32
      "tpu.region"() ({
        %run_scoped3A_75 = tpu.sem_alloc : memref<!tpu.dma_semaphore, #tpu.memory_space<semaphore_mem>>
        %dma_start3A_76 = arith.constant 0 : i32
        %dma_start3A_77 = tpu.memref_slice %arg7[%run_scoped3A_49, %run_scoped3A_50, %dma_start3A_76] : memref<2x2x80xi32, #tpu.memory_space<vmem>> -> memref<1x1x80xi32, #tpu.memory_space<vmem>>
        %dma_start3A_78 = tpu.memref_squeeze %dma_start3A_77 : memref<1x1x80xi32, #tpu.memory_space<vmem>> -> memref<80xi32, #tpu.memory_space<vmem>>
        %dma_start3A_79 = arith.constant 0 : i32
        %dma_start3A_80 = arith.constant 0 : i32
        %dma_start3A_81 = tpu.memref_slice %arg6[%dma_start3A_79, %dma_start3A_80] : memref<10112x128xf32, #tpu.memory_space<vmem_shared>> -> memref<10112x128xf32, #tpu.memory_space<vmem_shared>>
        tpu.enqueue_indirect_dma source(%arg8 : memref<80x128xf32, #tpu.memory_space<vmem>>) target(%dma_start3A_81 : memref<10112x128xf32, #tpu.memory_space<vmem_shared>>) offsets(%dma_start3A_78 : memref<80xi32, #tpu.memory_space<vmem>>) semaphore(%run_scoped3A_75 : memref<!tpu.dma_semaphore, #tpu.memory_space<semaphore_mem>>) {add = true}
        %dma_wait3A_82 = arith.constant 0 : i32
        %dma_wait3A_83 = tpu.memref_slice %arg7[%run_scoped3A_49, %run_scoped3A_50, %dma_wait3A_82] : memref<2x2x80xi32, #tpu.memory_space<vmem>> -> memref<1x1x80xi32, #tpu.memory_space<vmem>>
        %dma_wait3A_84 = tpu.memref_squeeze %dma_wait3A_83 : memref<1x1x80xi32, #tpu.memory_space<vmem>> -> memref<80xi32, #tpu.memory_space<vmem>>
        %dma_wait3A_85 = arith.constant 0 : i32
        %dma_wait3A_86 = arith.constant 0 : i32
        %dma_wait3A_87 = tpu.memref_slice %arg6[%dma_wait3A_85, %dma_wait3A_86] : memref<10112x128xf32, #tpu.memory_space<vmem_shared>> -> memref<10112x128xf32, #tpu.memory_space<vmem_shared>>
        tpu.wait_indirect_dma semaphore(%run_scoped3A_75 : memref<!tpu.dma_semaphore, #tpu.memory_space<semaphore_mem>>) src(%arg8 : memref<80x128xf32, #tpu.memory_space<vmem>>) dst(%dma_wait3A_87 : memref<10112x128xf32, #tpu.memory_space<vmem_shared>>)
        tpu.yield
      }) : () -> ()
      %sub3A = arith.constant 1 : i32
      %sub3A_51 = arith.subi %select_n3A, %sub3A : i32
      %lt3A = arith.cmpi slt, %while3A_31, %sub3A_51 : i32
      %convert_element_type3A = arith.extui %lt3A : i1 to i32
      %cond3A = arith.constant 0 : i32
      %cond3A_52 = arith.cmpi ne, %convert_element_type3A, %cond3A : i32
      scf.if %cond3A_52 {
        %add3A_75 = arith.constant 2 : i32
        %add3A_76 = arith.addi %mul3A_33, %add3A_75 : i32
        %dma_start3A_77 = arith.constant 0 : i32
        %dma_start3A_78 = arith.constant 0 : i32
        %dma_start3A_79 = arith.constant 0 : i32
        %dma_start3A_80 = tpu.memref_slice %arg7[%dma_start3A_77, %dma_start3A_78, %dma_start3A_79] : memref<2x2x80xi32, #tpu.memory_space<vmem>> -> memref<1x2x80xi32, #tpu.memory_space<vmem>>
        %dma_start3A_81 = tpu.memref_squeeze %dma_start3A_80 : memref<1x2x80xi32, #tpu.memory_space<vmem>> -> memref<2x80xi32, #tpu.memory_space<vmem>>
        %dma_start3A_82 = arith.constant 0 : i32
        %dma_start3A_83 = arith.constant 0 : i32
        %dma_start3A_84 = tpu.memref_slice %arg3[%add3A, %add3A_76, %dma_start3A_82, %dma_start3A_83] : memref<32x126x2x80xi32, #tpu.memory_space<hbm>> -> memref<1x1x2x80xi32, #tpu.memory_space<hbm>>
        %dma_start3A_85 = tpu.memref_squeeze %dma_start3A_84 : memref<1x1x2x80xi32, #tpu.memory_space<hbm>> -> memref<2x80xi32, #tpu.memory_space<hbm>>
        %dma_start3A_86 = arith.constant 0 : i32
        %dma_start3A_87 = arith.constant 0 : i32
        %dma_start3A_88 = tpu.memref_slice %arg7[%dma_start3A_77, %dma_start3A_86, %dma_start3A_87] : memref<2x2x80xi32, #tpu.memory_space<vmem>> -> memref<1x2x80xi32, #tpu.memory_space<vmem>>
        %dma_start3A_89 = tpu.memref_squeeze %dma_start3A_88 : memref<1x2x80xi32, #tpu.memory_space<vmem>> -> memref<2x80xi32, #tpu.memory_space<vmem>>
        %dma_start3A_90 = arith.constant 0 : i32
        %dma_start3A_91 = arith.constant 0 : i32
        %dma_start3A_92 = tpu.memref_slice %arg3[%add3A, %add3A_76, %dma_start3A_90, %dma_start3A_91] : memref<32x126x2x80xi32, #tpu.memory_space<hbm>> -> memref<1x1x2x80xi32, #tpu.memory_space<hbm>>
        %dma_start3A_93 = tpu.memref_squeeze %dma_start3A_92 : memref<1x1x2x80xi32, #tpu.memory_space<hbm>> -> memref<2x80xi32, #tpu.memory_space<hbm>>
        tpu.enqueue_dma source(%dma_start3A_93 : memref<2x80xi32, #tpu.memory_space<hbm>>) target(%dma_start3A_89 : memref<2x80xi32, #tpu.memory_space<vmem>>) target_semaphore(%arg12 : memref<!tpu.dma_semaphore, #tpu.memory_space<semaphore_mem>>)
      } else {
      }
      %sub3A_53 = arith.constant 1 : i32
      %sub3A_54 = arith.subi %select_n3A, %sub3A_53 : i32
      %lt3A_55 = arith.cmpi slt, %while3A_31, %sub3A_54 : i32
      %convert_element_type3A_56 = arith.extui %lt3A_55 : i1 to i32
      %cond3A_57 = arith.constant 0 : i32
      %cond3A_58 = arith.cmpi ne, %convert_element_type3A_56, %cond3A_57 : i32
      scf.if %cond3A_58 {
        %add3A_75 = arith.constant 2 : i32
        %add3A_76 = arith.addi %mul3A_33, %add3A_75 : i32
        %dma_wait3A_77 = arith.constant 0 : i32
        %dma_wait3A_78 = arith.constant 0 : i32
        %dma_wait3A_79 = arith.constant 0 : i32
        %dma_wait3A_80 = tpu.memref_slice %arg7[%dma_wait3A_77, %dma_wait3A_78, %dma_wait3A_79] : memref<2x2x80xi32, #tpu.memory_space<vmem>> -> memref<1x2x80xi32, #tpu.memory_space<vmem>>
        %dma_wait3A_81 = tpu.memref_squeeze %dma_wait3A_80 : memref<1x2x80xi32, #tpu.memory_space<vmem>> -> memref<2x80xi32, #tpu.memory_space<vmem>>
        %dma_wait3A_82 = arith.constant 0 : i32
        %dma_wait3A_83 = arith.constant 0 : i32
        %dma_wait3A_84 = tpu.memref_slice %arg3[%add3A, %add3A_76, %dma_wait3A_82, %dma_wait3A_83] : memref<32x126x2x80xi32, #tpu.memory_space<hbm>> -> memref<1x1x2x80xi32, #tpu.memory_space<hbm>>
        %dma_wait3A_85 = tpu.memref_squeeze %dma_wait3A_84 : memref<1x1x2x80xi32, #tpu.memory_space<hbm>> -> memref<2x80xi32, #tpu.memory_space<hbm>>
        %dma_wait3A_86 = arith.constant 0 : i32
        %dma_wait3A_87 = arith.constant 0 : i32
        %dma_wait3A_88 = tpu.memref_slice %arg7[%dma_wait3A_77, %dma_wait3A_86, %dma_wait3A_87] : memref<2x2x80xi32, #tpu.memory_space<vmem>> -> memref<1x2x80xi32, #tpu.memory_space<vmem>>
        %dma_wait3A_89 = tpu.memref_squeeze %dma_wait3A_88 : memref<1x2x80xi32, #tpu.memory_space<vmem>> -> memref<2x80xi32, #tpu.memory_space<vmem>>
        %dma_wait3A_90 = arith.constant 0 : i32
        %dma_wait3A_91 = arith.constant 0 : i32
        %dma_wait3A_92 = tpu.memref_slice %arg3[%add3A, %add3A_76, %dma_wait3A_90, %dma_wait3A_91] : memref<32x126x2x80xi32, #tpu.memory_space<hbm>> -> memref<1x1x2x80xi32, #tpu.memory_space<hbm>>
        %dma_wait3A_93 = tpu.memref_squeeze %dma_wait3A_92 : memref<1x1x2x80xi32, #tpu.memory_space<hbm>> -> memref<2x80xi32, #tpu.memory_space<hbm>>
        tpu.wait_dma2 semaphore(%arg12 : memref<!tpu.dma_semaphore, #tpu.memory_space<semaphore_mem>>) src(%dma_wait3A_93 : memref<2x80xi32, #tpu.memory_space<hbm>>) dst(%dma_wait3A_89 : memref<2x80xi32, #tpu.memory_space<vmem>>)
        %dma_start3A_94 = arith.constant 0 : i32
        %dma_start3A_95 = arith.constant 0 : i32
        %dma_start3A_96 = arith.constant 0 : i32
        %dma_start3A_97 = tpu.memref_slice %arg7[%dma_start3A_94, %dma_start3A_95, %dma_start3A_96] : memref<2x2x80xi32, #tpu.memory_space<vmem>> -> memref<1x1x80xi32, #tpu.memory_space<vmem>>
        %dma_start3A_98 = tpu.memref_squeeze %dma_start3A_97 : memref<1x1x80xi32, #tpu.memory_space<vmem>> -> memref<80xi32, #tpu.memory_space<vmem>>
        %dma_start3A_99 = arith.constant 0 : i32
        %dma_start3A_100 = arith.constant 0 : i32
        %dma_start3A_101 = tpu.memref_slice %arg2[%dma_start3A_99, %dma_start3A_100] : memref<10000x128xf32, #tpu.memory_space<hbm>> -> memref<10000x128xf32, #tpu.memory_space<hbm>>
        tpu.enqueue_indirect_dma source(%dma_start3A_101 : memref<10000x128xf32, #tpu.memory_space<hbm>>) target(%arg8 : memref<80x128xf32, #tpu.memory_space<vmem>>) offsets(%dma_start3A_98 : memref<80xi32, #tpu.memory_space<vmem>>) semaphore(%arg10 : memref<!tpu.dma_semaphore, #tpu.memory_space<semaphore_mem>>)
      } else {
      }
      %dma_wait3A_59 = arith.constant 1 : i32
      %dma_wait3A_60 = arith.constant 0 : i32
      %dma_wait3A_61 = arith.constant 0 : i32
      %dma_wait3A_62 = tpu.memref_slice %arg7[%dma_wait3A_59, %dma_wait3A_60, %dma_wait3A_61] : memref<2x2x80xi32, #tpu.memory_space<vmem>> -> memref<1x1x80xi32, #tpu.memory_space<vmem>>
      %dma_wait3A_63 = tpu.memref_squeeze %dma_wait3A_62 : memref<1x1x80xi32, #tpu.memory_space<vmem>> -> memref<80xi32, #tpu.memory_space<vmem>>
      %dma_wait3A_64 = arith.constant 0 : i32
      %dma_wait3A_65 = arith.constant 0 : i32
      %dma_wait3A_66 = tpu.memref_slice %arg2[%dma_wait3A_64, %dma_wait3A_65] : memref<10000x128xf32, #tpu.memory_space<hbm>> -> memref<10000x128xf32, #tpu.memory_space<hbm>>
      tpu.wait_indirect_dma semaphore(%arg11 : memref<!tpu.dma_semaphore, #tpu.memory_space<semaphore_mem>>) src(%dma_wait3A_66 : memref<10000x128xf32, #tpu.memory_space<hbm>>) dst(%arg9 : memref<80x128xf32, #tpu.memory_space<vmem>>)
      %run_scoped3A_67 = arith.constant 1 : i32
      %run_scoped3A_68 = arith.constant 1 : i32
      "tpu.region"() ({
        %run_scoped3A_75 = tpu.sem_alloc : memref<!tpu.dma_semaphore, #tpu.memory_space<semaphore_mem>>
        %dma_start3A_76 = arith.constant 0 : i32
        %dma_start3A_77 = tpu.memref_slice %arg7[%run_scoped3A_67, %run_scoped3A_68, %dma_start3A_76] : memref<2x2x80xi32, #tpu.memory_space<vmem>> -> memref<1x1x80xi32, #tpu.memory_space<vmem>>
        %dma_start3A_78 = tpu.memref_squeeze %dma_start3A_77 : memref<1x1x80xi32, #tpu.memory_space<vmem>> -> memref<80xi32, #tpu.memory_space<vmem>>
        %dma_start3A_79 = arith.constant 0 : i32
        %dma_start3A_80 = arith.constant 0 : i32
        %dma_start3A_81 = tpu.memref_slice %arg6[%dma_start3A_79, %dma_start3A_80] : memref<10112x128xf32, #tpu.memory_space<vmem_shared>> -> memref<10112x128xf32, #tpu.memory_space<vmem_shared>>
        tpu.enqueue_indirect_dma source(%arg9 : memref<80x128xf32, #tpu.memory_space<vmem>>) target(%dma_start3A_81 : memref<10112x128xf32, #tpu.memory_space<vmem_shared>>) offsets(%dma_start3A_78 : memref<80xi32, #tpu.memory_space<vmem>>) semaphore(%run_scoped3A_75 : memref<!tpu.dma_semaphore, #tpu.memory_space<semaphore_mem>>) {add = true}
        %dma_wait3A_82 = arith.constant 0 : i32
        %dma_wait3A_83 = tpu.memref_slice %arg7[%run_scoped3A_67, %run_scoped3A_68, %dma_wait3A_82] : memref<2x2x80xi32, #tpu.memory_space<vmem>> -> memref<1x1x80xi32, #tpu.memory_space<vmem>>
        %dma_wait3A_84 = tpu.memref_squeeze %dma_wait3A_83 : memref<1x1x80xi32, #tpu.memory_space<vmem>> -> memref<80xi32, #tpu.memory_space<vmem>>
        %dma_wait3A_85 = arith.constant 0 : i32
        %dma_wait3A_86 = arith.constant 0 : i32
        %dma_wait3A_87 = tpu.memref_slice %arg6[%dma_wait3A_85, %dma_wait3A_86] : memref<10112x128xf32, #tpu.memory_space<vmem_shared>> -> memref<10112x128xf32, #tpu.memory_space<vmem_shared>>
        tpu.wait_indirect_dma semaphore(%run_scoped3A_75 : memref<!tpu.dma_semaphore, #tpu.memory_space<semaphore_mem>>) src(%arg9 : memref<80x128xf32, #tpu.memory_space<vmem>>) dst(%dma_wait3A_87 : memref<10112x128xf32, #tpu.memory_space<vmem_shared>>)
        tpu.yield
      }) : () -> ()
      %sub3A_69 = arith.constant 1 : i32
      %sub3A_70 = arith.subi %select_n3A, %sub3A_69 : i32
      %lt3A_71 = arith.cmpi slt, %while3A_31, %sub3A_70 : i32
      %convert_element_type3A_72 = arith.extui %lt3A_71 : i1 to i32
      %cond3A_73 = arith.constant 0 : i32
      %cond3A_74 = arith.cmpi ne, %convert_element_type3A_72, %cond3A_73 : i32
      scf.if %cond3A_74 {
        %add3A_75 = arith.constant 3 : i32
        %add3A_76 = arith.addi %mul3A_33, %add3A_75 : i32
        %dma_start3A_77 = arith.constant 1 : i32
        %dma_start3A_78 = arith.constant 0 : i32
        %dma_start3A_79 = arith.constant 0 : i32
        %dma_start3A_80 = tpu.memref_slice %arg7[%dma_start3A_77, %dma_start3A_78, %dma_start3A_79] : memref<2x2x80xi32, #tpu.memory_space<vmem>> -> memref<1x2x80xi32, #tpu.memory_space<vmem>>
        %dma_start3A_81 = tpu.memref_squeeze %dma_start3A_80 : memref<1x2x80xi32, #tpu.memory_space<vmem>> -> memref<2x80xi32, #tpu.memory_space<vmem>>
        %dma_start3A_82 = arith.constant 0 : i32
        %dma_start3A_83 = arith.constant 0 : i32
        %dma_start3A_84 = tpu.memref_slice %arg3[%add3A, %add3A_76, %dma_start3A_82, %dma_start3A_83] : memref<32x126x2x80xi32, #tpu.memory_space<hbm>> -> memref<1x1x2x80xi32, #tpu.memory_space<hbm>>
        %dma_start3A_85 = tpu.memref_squeeze %dma_start3A_84 : memref<1x1x2x80xi32, #tpu.memory_space<hbm>> -> memref<2x80xi32, #tpu.memory_space<hbm>>
        %dma_start3A_86 = arith.constant 0 : i32
        %dma_start3A_87 = arith.constant 0 : i32
        %dma_start3A_88 = tpu.memref_slice %arg7[%dma_start3A_77, %dma_start3A_86, %dma_start3A_87] : memref<2x2x80xi32, #tpu.memory_space<vmem>> -> memref<1x2x80xi32, #tpu.memory_space<vmem>>
        %dma_start3A_89 = tpu.memref_squeeze %dma_start3A_88 : memref<1x2x80xi32, #tpu.memory_space<vmem>> -> memref<2x80xi32, #tpu.memory_space<vmem>>
        %dma_start3A_90 = arith.constant 0 : i32
        %dma_start3A_91 = arith.constant 0 : i32
        %dma_start3A_92 = tpu.memref_slice %arg3[%add3A, %add3A_76, %dma_start3A_90, %dma_start3A_91] : memref<32x126x2x80xi32, #tpu.memory_space<hbm>> -> memref<1x1x2x80xi32, #tpu.memory_space<hbm>>
        %dma_start3A_93 = tpu.memref_squeeze %dma_start3A_92 : memref<1x1x2x80xi32, #tpu.memory_space<hbm>> -> memref<2x80xi32, #tpu.memory_space<hbm>>
        tpu.enqueue_dma source(%dma_start3A_93 : memref<2x80xi32, #tpu.memory_space<hbm>>) target(%dma_start3A_89 : memref<2x80xi32, #tpu.memory_space<vmem>>) target_semaphore(%arg13 : memref<!tpu.dma_semaphore, #tpu.memory_space<semaphore_mem>>)
        %add3A_94 = arith.constant 3 : i32
        %add3A_95 = arith.addi %mul3A_33, %add3A_94 : i32
        %dma_wait3A_96 = arith.constant 1 : i32
        %dma_wait3A_97 = arith.constant 0 : i32
        %dma_wait3A_98 = arith.constant 0 : i32
        %dma_wait3A_99 = tpu.memref_slice %arg7[%dma_wait3A_96, %dma_wait3A_97, %dma_wait3A_98] : memref<2x2x80xi32, #tpu.memory_space<vmem>> -> memref<1x2x80xi32, #tpu.memory_space<vmem>>
        %dma_wait3A_100 = tpu.memref_squeeze %dma_wait3A_99 : memref<1x2x80xi32, #tpu.memory_space<vmem>> -> memref<2x80xi32, #tpu.memory_space<vmem>>
        %dma_wait3A_101 = arith.constant 0 : i32
        %dma_wait3A_102 = arith.constant 0 : i32
        %dma_wait3A_103 = tpu.memref_slice %arg3[%add3A, %add3A_95, %dma_wait3A_101, %dma_wait3A_102] : memref<32x126x2x80xi32, #tpu.memory_space<hbm>> -> memref<1x1x2x80xi32, #tpu.memory_space<hbm>>
        %dma_wait3A_104 = tpu.memref_squeeze %dma_wait3A_103 : memref<1x1x2x80xi32, #tpu.memory_space<hbm>> -> memref<2x80xi32, #tpu.memory_space<hbm>>
        %dma_wait3A_105 = arith.constant 0 : i32
        %dma_wait3A_106 = arith.constant 0 : i32
        %dma_wait3A_107 = tpu.memref_slice %arg7[%dma_wait3A_96, %dma_wait3A_105, %dma_wait3A_106] : memref<2x2x80xi32, #tpu.memory_space<vmem>> -> memref<1x2x80xi32, #tpu.memory_space<vmem>>
        %dma_wait3A_108 = tpu.memref_squeeze %dma_wait3A_107 : memref<1x2x80xi32, #tpu.memory_space<vmem>> -> memref<2x80xi32, #tpu.memory_space<vmem>>
        %dma_wait3A_109 = arith.constant 0 : i32
        %dma_wait3A_110 = arith.constant 0 : i32
        %dma_wait3A_111 = tpu.memref_slice %arg3[%add3A, %add3A_95, %dma_wait3A_109, %dma_wait3A_110] : memref<32x126x2x80xi32, #tpu.memory_space<hbm>> -> memref<1x1x2x80xi32, #tpu.memory_space<hbm>>
        %dma_wait3A_112 = tpu.memref_squeeze %dma_wait3A_111 : memref<1x1x2x80xi32, #tpu.memory_space<hbm>> -> memref<2x80xi32, #tpu.memory_space<hbm>>
        tpu.wait_dma2 semaphore(%arg13 : memref<!tpu.dma_semaphore, #tpu.memory_space<semaphore_mem>>) src(%dma_wait3A_112 : memref<2x80xi32, #tpu.memory_space<hbm>>) dst(%dma_wait3A_108 : memref<2x80xi32, #tpu.memory_space<vmem>>)
      } else {
      }
    }
    %while3A_25 = arith.constant 1 : i32
    scf.for %while3A_31 = %while3A_23 to %while3A_19 step %while3A_25  : i32 {
      %mul3A_32 = arith.constant 2 : i32
      %mul3A_33 = arith.muli %mul3A_32, %while3A_31 : i32
      %dma_wait3A = arith.constant 0 : i32
      %dma_wait3A_34 = arith.constant 0 : i32
      %dma_wait3A_35 = arith.constant 0 : i32
      %dma_wait3A_36 = tpu.memref_slice %arg7[%dma_wait3A, %dma_wait3A_34, %dma_wait3A_35] : memref<2x2x80xi32, #tpu.memory_space<vmem>> -> memref<1x1x80xi32, #tpu.memory_space<vmem>>
      %dma_wait3A_37 = tpu.memref_squeeze %dma_wait3A_36 : memref<1x1x80xi32, #tpu.memory_space<vmem>> -> memref<80xi32, #tpu.memory_space<vmem>>
      %dma_wait3A_38 = arith.constant 0 : i32
      %dma_wait3A_39 = arith.constant 0 : i32
      %dma_wait3A_40 = tpu.memref_slice %arg2[%dma_wait3A_38, %dma_wait3A_39] : memref<10000x128xf32, #tpu.memory_space<hbm>> -> memref<10000x128xf32, #tpu.memory_space<hbm>>
      tpu.wait_indirect_dma semaphore(%arg10 : memref<!tpu.dma_semaphore, #tpu.memory_space<semaphore_mem>>) src(%dma_wait3A_40 : memref<10000x128xf32, #tpu.memory_space<hbm>>) dst(%arg8 : memref<80x128xf32, #tpu.memory_space<vmem>>)
      %dma_start3A_41 = arith.constant 1 : i32
      %dma_start3A_42 = arith.constant 0 : i32
      %dma_start3A_43 = arith.constant 0 : i32
      %dma_start3A_44 = tpu.memref_slice %arg7[%dma_start3A_41, %dma_start3A_42, %dma_start3A_43] : memref<2x2x80xi32, #tpu.memory_space<vmem>> -> memref<1x1x80xi32, #tpu.memory_space<vmem>>
      %dma_start3A_45 = tpu.memref_squeeze %dma_start3A_44 : memref<1x1x80xi32, #tpu.memory_space<vmem>> -> memref<80xi32, #tpu.memory_space<vmem>>
      %dma_start3A_46 = arith.constant 0 : i32
      %dma_start3A_47 = arith.constant 0 : i32
      %dma_start3A_48 = tpu.memref_slice %arg2[%dma_start3A_46, %dma_start3A_47] : memref<10000x128xf32, #tpu.memory_space<hbm>> -> memref<10000x128xf32, #tpu.memory_space<hbm>>
      tpu.enqueue_indirect_dma source(%dma_start3A_48 : memref<10000x128xf32, #tpu.memory_space<hbm>>) target(%arg9 : memref<80x128xf32, #tpu.memory_space<vmem>>) offsets(%dma_start3A_45 : memref<80xi32, #tpu.memory_space<vmem>>) semaphore(%arg11 : memref<!tpu.dma_semaphore, #tpu.memory_space<semaphore_mem>>)
      %run_scoped3A_49 = arith.constant 0 : i32
      %run_scoped3A_50 = arith.constant 1 : i32
      "tpu.region"() ({
        %run_scoped3A_75 = tpu.sem_alloc : memref<!tpu.dma_semaphore, #tpu.memory_space<semaphore_mem>>
        %dma_start3A_76 = arith.constant 0 : i32
        %dma_start3A_77 = tpu.memref_slice %arg7[%run_scoped3A_49, %run_scoped3A_50, %dma_start3A_76] : memref<2x2x80xi32, #tpu.memory_space<vmem>> -> memref<1x1x80xi32, #tpu.memory_space<vmem>>
        %dma_start3A_78 = tpu.memref_squeeze %dma_start3A_77 : memref<1x1x80xi32, #tpu.memory_space<vmem>> -> memref<80xi32, #tpu.memory_space<vmem>>
        %dma_start3A_79 = arith.constant 0 : i32
        %dma_start3A_80 = arith.constant 0 : i32
        %dma_start3A_81 = tpu.memref_slice %arg6[%dma_start3A_79, %dma_start3A_80] : memref<10112x128xf32, #tpu.memory_space<vmem_shared>> -> memref<10112x128xf32, #tpu.memory_space<vmem_shared>>
        tpu.enqueue_indirect_dma source(%arg8 : memref<80x128xf32, #tpu.memory_space<vmem>>) target(%dma_start3A_81 : memref<10112x128xf32, #tpu.memory_space<vmem_shared>>) offsets(%dma_start3A_78 : memref<80xi32, #tpu.memory_space<vmem>>) semaphore(%run_scoped3A_75 : memref<!tpu.dma_semaphore, #tpu.memory_space<semaphore_mem>>) {add = true}
        %dma_wait3A_82 = arith.constant 0 : i32
        %dma_wait3A_83 = tpu.memref_slice %arg7[%run_scoped3A_49, %run_scoped3A_50, %dma_wait3A_82] : memref<2x2x80xi32, #tpu.memory_space<vmem>> -> memref<1x1x80xi32, #tpu.memory_space<vmem>>
        %dma_wait3A_84 = tpu.memref_squeeze %dma_wait3A_83 : memref<1x1x80xi32, #tpu.memory_space<vmem>> -> memref<80xi32, #tpu.memory_space<vmem>>
        %dma_wait3A_85 = arith.constant 0 : i32
        %dma_wait3A_86 = arith.constant 0 : i32
        %dma_wait3A_87 = tpu.memref_slice %arg6[%dma_wait3A_85, %dma_wait3A_86] : memref<10112x128xf32, #tpu.memory_space<vmem_shared>> -> memref<10112x128xf32, #tpu.memory_space<vmem_shared>>
        tpu.wait_indirect_dma semaphore(%run_scoped3A_75 : memref<!tpu.dma_semaphore, #tpu.memory_space<semaphore_mem>>) src(%arg8 : memref<80x128xf32, #tpu.memory_space<vmem>>) dst(%dma_wait3A_87 : memref<10112x128xf32, #tpu.memory_space<vmem_shared>>)
        tpu.yield
      }) : () -> ()
      %sub3A = arith.constant 1 : i32
      %sub3A_51 = arith.subi %select_n3A, %sub3A : i32
      %lt3A = arith.cmpi slt, %while3A_31, %sub3A_51 : i32
      %convert_element_type3A = arith.extui %lt3A : i1 to i32
      %cond3A = arith.constant 0 : i32
      %cond3A_52 = arith.cmpi ne, %convert_element_type3A, %cond3A : i32
      scf.if %cond3A_52 {
        %add3A_75 = arith.constant 2 : i32
        %add3A_76 = arith.addi %mul3A_33, %add3A_75 : i32
        %dma_start3A_77 = arith.constant 0 : i32
        %dma_start3A_78 = arith.constant 0 : i32
        %dma_start3A_79 = arith.constant 0 : i32
        %dma_start3A_80 = tpu.memref_slice %arg7[%dma_start3A_77, %dma_start3A_78, %dma_start3A_79] : memref<2x2x80xi32, #tpu.memory_space<vmem>> -> memref<1x2x80xi32, #tpu.memory_space<vmem>>
        %dma_start3A_81 = tpu.memref_squeeze %dma_start3A_80 : memref<1x2x80xi32, #tpu.memory_space<vmem>> -> memref<2x80xi32, #tpu.memory_space<vmem>>
        %dma_start3A_82 = arith.constant 0 : i32
        %dma_start3A_83 = arith.constant 0 : i32
        %dma_start3A_84 = tpu.memref_slice %arg3[%add3A, %add3A_76, %dma_start3A_82, %dma_start3A_83] : memref<32x126x2x80xi32, #tpu.memory_space<hbm>> -> memref<1x1x2x80xi32, #tpu.memory_space<hbm>>
        %dma_start3A_85 = tpu.memref_squeeze %dma_start3A_84 : memref<1x1x2x80xi32, #tpu.memory_space<hbm>> -> memref<2x80xi32, #tpu.memory_space<hbm>>
        %dma_start3A_86 = arith.constant 0 : i32
        %dma_start3A_87 = arith.constant 0 : i32
        %dma_start3A_88 = tpu.memref_slice %arg7[%dma_start3A_77, %dma_start3A_86, %dma_start3A_87] : memref<2x2x80xi32, #tpu.memory_space<vmem>> -> memref<1x2x80xi32, #tpu.memory_space<vmem>>
        %dma_start3A_89 = tpu.memref_squeeze %dma_start3A_88 : memref<1x2x80xi32, #tpu.memory_space<vmem>> -> memref<2x80xi32, #tpu.memory_space<vmem>>
        %dma_start3A_90 = arith.constant 0 : i32
        %dma_start3A_91 = arith.constant 0 : i32
        %dma_start3A_92 = tpu.memref_slice %arg3[%add3A, %add3A_76, %dma_start3A_90, %dma_start3A_91] : memref<32x126x2x80xi32, #tpu.memory_space<hbm>> -> memref<1x1x2x80xi32, #tpu.memory_space<hbm>>
        %dma_start3A_93 = tpu.memref_squeeze %dma_start3A_92 : memref<1x1x2x80xi32, #tpu.memory_space<hbm>> -> memref<2x80xi32, #tpu.memory_space<hbm>>
        tpu.enqueue_dma source(%dma_start3A_93 : memref<2x80xi32, #tpu.memory_space<hbm>>) target(%dma_start3A_89 : memref<2x80xi32, #tpu.memory_space<vmem>>) target_semaphore(%arg12 : memref<!tpu.dma_semaphore, #tpu.memory_space<semaphore_mem>>)
      } else {
      }
      %sub3A_53 = arith.constant 1 : i32
      %sub3A_54 = arith.subi %select_n3A, %sub3A_53 : i32
      %lt3A_55 = arith.cmpi slt, %while3A_31, %sub3A_54 : i32
      %convert_element_type3A_56 = arith.extui %lt3A_55 : i1 to i32
      %cond3A_57 = arith.constant 0 : i32
      %cond3A_58 = arith.cmpi ne, %convert_element_type3A_56, %cond3A_57 : i32
      scf.if %cond3A_58 {
        %add3A_75 = arith.constant 2 : i32
        %add3A_76 = arith.addi %mul3A_33, %add3A_75 : i32
        %dma_wait3A_77 = arith.constant 0 : i32
        %dma_wait3A_78 = arith.constant 0 : i32
        %dma_wait3A_79 = arith.constant 0 : i32
        %dma_wait3A_80 = tpu.memref_slice %arg7[%dma_wait3A_77, %dma_wait3A_78, %dma_wait3A_79] : memref<2x2x80xi32, #tpu.memory_space<vmem>> -> memref<1x2x80xi32, #tpu.memory_space<vmem>>
        %dma_wait3A_81 = tpu.memref_squeeze %dma_wait3A_80 : memref<1x2x80xi32, #tpu.memory_space<vmem>> -> memref<2x80xi32, #tpu.memory_space<vmem>>
        %dma_wait3A_82 = arith.constant 0 : i32
        %dma_wait3A_83 = arith.constant 0 : i32
        %dma_wait3A_84 = tpu.memref_slice %arg3[%add3A, %add3A_76, %dma_wait3A_82, %dma_wait3A_83] : memref<32x126x2x80xi32, #tpu.memory_space<hbm>> -> memref<1x1x2x80xi32, #tpu.memory_space<hbm>>
        %dma_wait3A_85 = tpu.memref_squeeze %dma_wait3A_84 : memref<1x1x2x80xi32, #tpu.memory_space<hbm>> -> memref<2x80xi32, #tpu.memory_space<hbm>>
        %dma_wait3A_86 = arith.constant 0 : i32
        %dma_wait3A_87 = arith.constant 0 : i32
        %dma_wait3A_88 = tpu.memref_slice %arg7[%dma_wait3A_77, %dma_wait3A_86, %dma_wait3A_87] : memref<2x2x80xi32, #tpu.memory_space<vmem>> -> memref<1x2x80xi32, #tpu.memory_space<vmem>>
        %dma_wait3A_89 = tpu.memref_squeeze %dma_wait3A_88 : memref<1x2x80xi32, #tpu.memory_space<vmem>> -> memref<2x80xi32, #tpu.memory_space<vmem>>
        %dma_wait3A_90 = arith.constant 0 : i32
        %dma_wait3A_91 = arith.constant 0 : i32
        %dma_wait3A_92 = tpu.memref_slice %arg3[%add3A, %add3A_76, %dma_wait3A_90, %dma_wait3A_91] : memref<32x126x2x80xi32, #tpu.memory_space<hbm>> -> memref<1x1x2x80xi32, #tpu.memory_space<hbm>>
        %dma_wait3A_93 = tpu.memref_squeeze %dma_wait3A_92 : memref<1x1x2x80xi32, #tpu.memory_space<hbm>> -> memref<2x80xi32, #tpu.memory_space<hbm>>
        tpu.wait_dma2 semaphore(%arg12 : memref<!tpu.dma_semaphore, #tpu.memory_space<semaphore_mem>>) src(%dma_wait3A_93 : memref<2x80xi32, #tpu.memory_space<hbm>>) dst(%dma_wait3A_89 : memref<2x80xi32, #tpu.memory_space<vmem>>)
        %dma_start3A_94 = arith.constant 0 : i32
        %dma_start3A_95 = arith.constant 0 : i32
        %dma_start3A_96 = arith.constant 0 : i32
        %dma_start3A_97 = tpu.memref_slice %arg7[%dma_start3A_94, %dma_start3A_95, %dma_start3A_96] : memref<2x2x80xi32, #tpu.memory_space<vmem>> -> memref<1x1x80xi32, #tpu.memory_space<vmem>>
        %dma_start3A_98 = tpu.memref_squeeze %dma_start3A_97 : memref<1x1x80xi32, #tpu.memory_space<vmem>> -> memref<80xi32, #tpu.memory_space<vmem>>
        %dma_start3A_99 = arith.constant 0 : i32
        %dma_start3A_100 = arith.constant 0 : i32
        %dma_start3A_101 = tpu.memref_slice %arg2[%dma_start3A_99, %dma_start3A_100] : memref<10000x128xf32, #tpu.memory_space<hbm>> -> memref<10000x128xf32, #tpu.memory_space<hbm>>
        tpu.enqueue_indirect_dma source(%dma_start3A_101 : memref<10000x128xf32, #tpu.memory_space<hbm>>) target(%arg8 : memref<80x128xf32, #tpu.memory_space<vmem>>) offsets(%dma_start3A_98 : memref<80xi32, #tpu.memory_space<vmem>>) semaphore(%arg10 : memref<!tpu.dma_semaphore, #tpu.memory_space<semaphore_mem>>)
      } else {
      }
      %dma_wait3A_59 = arith.constant 1 : i32
      %dma_wait3A_60 = arith.constant 0 : i32
      %dma_wait3A_61 = arith.constant 0 : i32
      %dma_wait3A_62 = tpu.memref_slice %arg7[%dma_wait3A_59, %dma_wait3A_60, %dma_wait3A_61] : memref<2x2x80xi32, #tpu.memory_space<vmem>> -> memref<1x1x80xi32, #tpu.memory_space<vmem>>
      %dma_wait3A_63 = tpu.memref_squeeze %dma_wait3A_62 : memref<1x1x80xi32, #tpu.memory_space<vmem>> -> memref<80xi32, #tpu.memory_space<vmem>>
      %dma_wait3A_64 = arith.constant 0 : i32
      %dma_wait3A_65 = arith.constant 0 : i32
      %dma_wait3A_66 = tpu.memref_slice %arg2[%dma_wait3A_64, %dma_wait3A_65] : memref<10000x128xf32, #tpu.memory_space<hbm>> -> memref<10000x128xf32, #tpu.memory_space<hbm>>
      tpu.wait_indirect_dma semaphore(%arg11 : memref<!tpu.dma_semaphore, #tpu.memory_space<semaphore_mem>>) src(%dma_wait3A_66 : memref<10000x128xf32, #tpu.memory_space<hbm>>) dst(%arg9 : memref<80x128xf32, #tpu.memory_space<vmem>>)
      %run_scoped3A_67 = arith.constant 1 : i32
      %run_scoped3A_68 = arith.constant 1 : i32
      "tpu.region"() ({
        %run_scoped3A_75 = tpu.sem_alloc : memref<!tpu.dma_semaphore, #tpu.memory_space<semaphore_mem>>
        %dma_start3A_76 = arith.constant 0 : i32
        %dma_start3A_77 = tpu.memref_slice %arg7[%run_scoped3A_67, %run_scoped3A_68, %dma_start3A_76] : memref<2x2x80xi32, #tpu.memory_space<vmem>> -> memref<1x1x80xi32, #tpu.memory_space<vmem>>
        %dma_start3A_78 = tpu.memref_squeeze %dma_start3A_77 : memref<1x1x80xi32, #tpu.memory_space<vmem>> -> memref<80xi32, #tpu.memory_space<vmem>>
        %dma_start3A_79 = arith.constant 0 : i32
        %dma_start3A_80 = arith.constant 0 : i32
        %dma_start3A_81 = tpu.memref_slice %arg6[%dma_start3A_79, %dma_start3A_80] : memref<10112x128xf32, #tpu.memory_space<vmem_shared>> -> memref<10112x128xf32, #tpu.memory_space<vmem_shared>>
        tpu.enqueue_indirect_dma source(%arg9 : memref<80x128xf32, #tpu.memory_space<vmem>>) target(%dma_start3A_81 : memref<10112x128xf32, #tpu.memory_space<vmem_shared>>) offsets(%dma_start3A_78 : memref<80xi32, #tpu.memory_space<vmem>>) semaphore(%run_scoped3A_75 : memref<!tpu.dma_semaphore, #tpu.memory_space<semaphore_mem>>) {add = true}
        %dma_wait3A_82 = arith.constant 0 : i32
        %dma_wait3A_83 = tpu.memref_slice %arg7[%run_scoped3A_67, %run_scoped3A_68, %dma_wait3A_82] : memref<2x2x80xi32, #tpu.memory_space<vmem>> -> memref<1x1x80xi32, #tpu.memory_space<vmem>>
        %dma_wait3A_84 = tpu.memref_squeeze %dma_wait3A_83 : memref<1x1x80xi32, #tpu.memory_space<vmem>> -> memref<80xi32, #tpu.memory_space<vmem>>
        %dma_wait3A_85 = arith.constant 0 : i32
        %dma_wait3A_86 = arith.constant 0 : i32
        %dma_wait3A_87 = tpu.memref_slice %arg6[%dma_wait3A_85, %dma_wait3A_86] : memref<10112x128xf32, #tpu.memory_space<vmem_shared>> -> memref<10112x128xf32, #tpu.memory_space<vmem_shared>>
        tpu.wait_indirect_dma semaphore(%run_scoped3A_75 : memref<!tpu.dma_semaphore, #tpu.memory_space<semaphore_mem>>) src(%arg9 : memref<80x128xf32, #tpu.memory_space<vmem>>) dst(%dma_wait3A_87 : memref<10112x128xf32, #tpu.memory_space<vmem_shared>>)
        tpu.yield
      }) : () -> ()
      %sub3A_69 = arith.constant 1 : i32
      %sub3A_70 = arith.subi %select_n3A, %sub3A_69 : i32
      %lt3A_71 = arith.cmpi slt, %while3A_31, %sub3A_70 : i32
      %convert_element_type3A_72 = arith.extui %lt3A_71 : i1 to i32
      %cond3A_73 = arith.constant 0 : i32
      %cond3A_74 = arith.cmpi ne, %convert_element_type3A_72, %cond3A_73 : i32
      scf.if %cond3A_74 {
        %add3A_75 = arith.constant 3 : i32
        %add3A_76 = arith.addi %mul3A_33, %add3A_75 : i32
        %dma_start3A_77 = arith.constant 1 : i32
        %dma_start3A_78 = arith.constant 0 : i32
        %dma_start3A_79 = arith.constant 0 : i32
        %dma_start3A_80 = tpu.memref_slice %arg7[%dma_start3A_77, %dma_start3A_78, %dma_start3A_79] : memref<2x2x80xi32, #tpu.memory_space<vmem>> -> memref<1x2x80xi32, #tpu.memory_space<vmem>>
        %dma_start3A_81 = tpu.memref_squeeze %dma_start3A_80 : memref<1x2x80xi32, #tpu.memory_space<vmem>> -> memref<2x80xi32, #tpu.memory_space<vmem>>
        %dma_start3A_82 = arith.constant 0 : i32
        %dma_start3A_83 = arith.constant 0 : i32
        %dma_start3A_84 = tpu.memref_slice %arg3[%add3A, %add3A_76, %dma_start3A_82, %dma_start3A_83] : memref<32x126x2x80xi32, #tpu.memory_space<hbm>> -> memref<1x1x2x80xi32, #tpu.memory_space<hbm>>
        %dma_start3A_85 = tpu.memref_squeeze %dma_start3A_84 : memref<1x1x2x80xi32, #tpu.memory_space<hbm>> -> memref<2x80xi32, #tpu.memory_space<hbm>>
        %dma_start3A_86 = arith.constant 0 : i32
        %dma_start3A_87 = arith.constant 0 : i32
        %dma_start3A_88 = tpu.memref_slice %arg7[%dma_start3A_77, %dma_start3A_86, %dma_start3A_87] : memref<2x2x80xi32, #tpu.memory_space<vmem>> -> memref<1x2x80xi32, #tpu.memory_space<vmem>>
        %dma_start3A_89 = tpu.memref_squeeze %dma_start3A_88 : memref<1x2x80xi32, #tpu.memory_space<vmem>> -> memref<2x80xi32, #tpu.memory_space<vmem>>
        %dma_start3A_90 = arith.constant 0 : i32
        %dma_start3A_91 = arith.constant 0 : i32
        %dma_start3A_92 = tpu.memref_slice %arg3[%add3A, %add3A_76, %dma_start3A_90, %dma_start3A_91] : memref<32x126x2x80xi32, #tpu.memory_space<hbm>> -> memref<1x1x2x80xi32, #tpu.memory_space<hbm>>
        %dma_start3A_93 = tpu.memref_squeeze %dma_start3A_92 : memref<1x1x2x80xi32, #tpu.memory_space<hbm>> -> memref<2x80xi32, #tpu.memory_space<hbm>>
        tpu.enqueue_dma source(%dma_start3A_93 : memref<2x80xi32, #tpu.memory_space<hbm>>) target(%dma_start3A_89 : memref<2x80xi32, #tpu.memory_space<vmem>>) target_semaphore(%arg13 : memref<!tpu.dma_semaphore, #tpu.memory_space<semaphore_mem>>)
        %add3A_94 = arith.constant 3 : i32
        %add3A_95 = arith.addi %mul3A_33, %add3A_94 : i32
        %dma_wait3A_96 = arith.constant 1 : i32
        %dma_wait3A_97 = arith.constant 0 : i32
        %dma_wait3A_98 = arith.constant 0 : i32
        %dma_wait3A_99 = tpu.memref_slice %arg7[%dma_wait3A_96, %dma_wait3A_97, %dma_wait3A_98] : memref<2x2x80xi32, #tpu.memory_space<vmem>> -> memref<1x2x80xi32, #tpu.memory_space<vmem>>
        %dma_wait3A_100 = tpu.memref_squeeze %dma_wait3A_99 : memref<1x2x80xi32, #tpu.memory_space<vmem>> -> memref<2x80xi32, #tpu.memory_space<vmem>>
        %dma_wait3A_101 = arith.constant 0 : i32
        %dma_wait3A_102 = arith.constant 0 : i32
        %dma_wait3A_103 = tpu.memref_slice %arg3[%add3A, %add3A_95, %dma_wait3A_101, %dma_wait3A_102] : memref<32x126x2x80xi32, #tpu.memory_space<hbm>> -> memref<1x1x2x80xi32, #tpu.memory_space<hbm>>
        %dma_wait3A_104 = tpu.memref_squeeze %dma_wait3A_103 : memref<1x1x2x80xi32, #tpu.memory_space<hbm>> -> memref<2x80xi32, #tpu.memory_space<hbm>>
        %dma_wait3A_105 = arith.constant 0 : i32
        %dma_wait3A_106 = arith.constant 0 : i32
        %dma_wait3A_107 = tpu.memref_slice %arg7[%dma_wait3A_96, %dma_wait3A_105, %dma_wait3A_106] : memref<2x2x80xi32, #tpu.memory_space<vmem>> -> memref<1x2x80xi32, #tpu.memory_space<vmem>>
        %dma_wait3A_108 = tpu.memref_squeeze %dma_wait3A_107 : memref<1x2x80xi32, #tpu.memory_space<vmem>> -> memref<2x80xi32, #tpu.memory_space<vmem>>
        %dma_wait3A_109 = arith.constant 0 : i32
        %dma_wait3A_110 = arith.constant 0 : i32
        %dma_wait3A_111 = tpu.memref_slice %arg3[%add3A, %add3A_95, %dma_wait3A_109, %dma_wait3A_110] : memref<32x126x2x80xi32, #tpu.memory_space<hbm>> -> memref<1x1x2x80xi32, #tpu.memory_space<hbm>>
        %dma_wait3A_112 = tpu.memref_squeeze %dma_wait3A_111 : memref<1x1x2x80xi32, #tpu.memory_space<hbm>> -> memref<2x80xi32, #tpu.memory_space<hbm>>
        tpu.wait_dma2 semaphore(%arg13 : memref<!tpu.dma_semaphore, #tpu.memory_space<semaphore_mem>>) src(%dma_wait3A_112 : memref<2x80xi32, #tpu.memory_space<hbm>>) dst(%dma_wait3A_108 : memref<2x80xi32, #tpu.memory_space<vmem>>)
      } else {
      }
    }
    %barrier3A_26 = arith.constant 0 : index
    tpu.barrier barrier_id(%barrier3A_26)
    %mul3A_27 = arith.constant 632 : i32
    %mul3A_28 = arith.muli %arg1, %mul3A_27 : i32
    %mul3A_29 = arith.constant 632 : i32
    %mul3A_30 = arith.muli %arg1, %mul3A_29 : i32
    "tpu.region"() ({
      %run_scoped3A_31 = tpu.sem_alloc : memref<!tpu.dma_semaphore, #tpu.memory_space<semaphore_mem>>
      %dma_start3A_32 = arith.constant 0 : i32
      %dma_start3A_33 = tpu.memref_slice %arg5[%arg0, %mul3A_30, %dma_start3A_32] : memref<2x10112x128xf32, #tpu.memory_space<hbm>> -> memref<1x632x128xf32, #tpu.memory_space<hbm>>
      %dma_start3A_34 = tpu.memref_squeeze %dma_start3A_33 : memref<1x632x128xf32, #tpu.memory_space<hbm>> -> memref<632x128xf32, #tpu.memory_space<hbm>>
      %dma_start3A_35 = arith.constant 0 : i32
      %dma_start3A_36 = tpu.memref_slice %arg6[%mul3A_28, %dma_start3A_35] : memref<10112x128xf32, #tpu.memory_space<vmem_shared>> -> memref<632x128xf32, #tpu.memory_space<vmem_shared>>
      tpu.enqueue_dma source(%dma_start3A_36 : memref<632x128xf32, #tpu.memory_space<vmem_shared>>) target(%dma_start3A_34 : memref<632x128xf32, #tpu.memory_space<hbm>>) target_semaphore(%run_scoped3A_31 : memref<!tpu.dma_semaphore, #tpu.memory_space<semaphore_mem>>)
      %dma_wait3A = arith.constant 0 : i32
      %dma_wait3A_37 = tpu.memref_slice %arg5[%arg0, %mul3A_30, %dma_wait3A] : memref<2x10112x128xf32, #tpu.memory_space<hbm>> -> memref<1x632x128xf32, #tpu.memory_space<hbm>>
      %dma_wait3A_38 = tpu.memref_squeeze %dma_wait3A_37 : memref<1x632x128xf32, #tpu.memory_space<hbm>> -> memref<632x128xf32, #tpu.memory_space<hbm>>
      %dma_wait3A_39 = arith.constant 0 : i32
      %dma_wait3A_40 = tpu.memref_slice %arg6[%mul3A_28, %dma_wait3A_39] : memref<10112x128xf32, #tpu.memory_space<vmem_shared>> -> memref<632x128xf32, #tpu.memory_space<vmem_shared>>
      tpu.wait_dma2 semaphore(%run_scoped3A_31 : memref<!tpu.dma_semaphore, #tpu.memory_space<semaphore_mem>>) src(%dma_wait3A_40 : memref<632x128xf32, #tpu.memory_space<vmem_shared>>) dst(%dma_wait3A_38 : memref<632x128xf32, #tpu.memory_space<hbm>>)
      tpu.yield
    }) : () -> ()
    return
  }
}

#map = affine_map<(d0, d1) -> (0, 0)>
#map1 = affine_map<(d0, d1) -> (0, 0, 0, 0)>
#map2 = affine_map<(d0, d1) -> (0, 0, 0)>
module attributes {stable_mosaic.version = 14 : i64} {
  func.func @agg_kernel(%arg0: i32, %arg1: i32, %arg2: memref<10000x128xf32, #tpu.memory_space<hbm>>, %arg3: memref<32x126x2x80xi32, #tpu.memory_space<hbm>>, %arg4: memref<10112x128xf32, #tpu.memory_space<hbm>>, %arg5: memref<2x10112x128xf32, #tpu.memory_space<hbm>>, %arg6: memref<10112x128xf32, #tpu.memory_space<vmem_shared>>, %arg7: memref<2x2x80xi32, #tpu.memory_space<vmem>>, %arg8: memref<80x128xf32, #tpu.memory_space<vmem>>, %arg9: memref<80x128xf32, #tpu.memory_space<vmem>>, %arg10: memref<!tpu.dma_semaphore, #tpu.memory_space<semaphore_mem>>, %arg11: memref<!tpu.dma_semaphore, #tpu.memory_space<semaphore_mem>>, %arg12: memref<!tpu.dma_semaphore, #tpu.memory_space<semaphore_mem>>, %arg13: memref<!tpu.dma_semaphore, #tpu.memory_space<semaphore_mem>>) attributes {dimension_semantics = [#tpu.dimension_semantics<core_parallel>, #tpu.dimension_semantics<subcore_parallel>], iteration_bounds = array<i64: 2, 16>, scalar_prefetch = 0 : i64, scratch_operands = 8 : i64, tpu.core_type = #tpu.core_type<sc_vector_subcore>, window_params = [{transform_indices = #map}, {transform_indices = #map1}, {transform_indices = #map}, {transform_indices = #map2}]} {
    %mul3A = arith.constant 2 : i32
    %mul3A_0 = arith.muli %arg1, %mul3A : i32
    %add3A = arith.addi %mul3A_0, %arg0 : i32
    %eq3A = arith.constant 0 : i32
    %eq3A_1 = arith.cmpi eq, %arg0, %eq3A : i32
    %jit3A = arith.constant 63 : i32
    %jit3A_2 = arith.constant 62 : i32
    %select_n3A = arith.select %eq3A_1, %jit3A, %jit3A_2 : i32
    %mul3A_3 = arith.constant 632 : i32
    %mul3A_4 = arith.muli %arg1, %mul3A_3 : i32
    %mul3A_5 = arith.constant 632 : i32
    %mul3A_6 = arith.muli %arg1, %mul3A_5 : i32
    "tpu.region"() ({
      %run_scoped3A_31 = tpu.sem_alloc : memref<!tpu.dma_semaphore, #tpu.memory_space<semaphore_mem>>
      %dma_start3A_32 = arith.constant 0 : i32
      %dma_start3A_33 = tpu.memref_slice %arg6[%mul3A_6, %dma_start3A_32] : memref<10112x128xf32, #tpu.memory_space<vmem_shared>> -> memref<632x128xf32, #tpu.memory_space<vmem_shared>>
      %dma_start3A_34 = arith.constant 0 : i32
      %dma_start3A_35 = tpu.memref_slice %arg4[%mul3A_4, %dma_start3A_34] : memref<10112x128xf32, #tpu.memory_space<hbm>> -> memref<632x128xf32, #tpu.memory_space<hbm>>
      tpu.enqueue_dma source(%dma_start3A_35 : memref<632x128xf32, #tpu.memory_space<hbm>>) target(%dma_start3A_33 : memref<632x128xf32, #tpu.memory_space<vmem_shared>>) target_semaphore(%run_scoped3A_31 : memref<!tpu.dma_semaphore, #tpu.memory_space<semaphore_mem>>)
      %dma_wait3A = arith.constant 0 : i32
      %dma_wait3A_36 = tpu.memref_slice %arg6[%mul3A_6, %dma_wait3A] : memref<10112x128xf32, #tpu.memory_space<vmem_shared>> -> memref<632x128xf32, #tpu.memory_space<vmem_shared>>
      %dma_wait3A_37 = arith.constant 0 : i32
      %dma_wait3A_38 = tpu.memref_slice %arg4[%mul3A_4, %dma_wait3A_37] : memref<10112x128xf32, #tpu.memory_space<hbm>> -> memref<632x128xf32, #tpu.memory_space<hbm>>
      tpu.wait_dma2 semaphore(%run_scoped3A_31 : memref<!tpu.dma_semaphore, #tpu.memory_space<semaphore_mem>>) src(%dma_wait3A_38 : memref<632x128xf32, #tpu.memory_space<hbm>>) dst(%dma_wait3A_36 : memref<632x128xf32, #tpu.memory_space<vmem_shared>>)
      tpu.yield
    }) : () -> ()
    %barrier3A = arith.constant 0 : index
    tpu.barrier barrier_id(%barrier3A)
    %run_scoped3A = arith.constant 0 : i32
    %run_scoped3A_7 = arith.constant 0 : i32
    "tpu.region"() ({
      %run_scoped3A_31 = tpu.sem_alloc : memref<!tpu.dma_semaphore, #tpu.memory_space<semaphore_mem>>
      %dma_start3A_32 = arith.constant 0 : i32
      %dma_start3A_33 = arith.constant 0 : i32
      %dma_start3A_34 = tpu.memref_slice %arg7[%run_scoped3A_7, %dma_start3A_32, %dma_start3A_33] : memref<2x2x80xi32, #tpu.memory_space<vmem>> -> memref<1x2x80xi32, #tpu.memory_space<vmem>>
      %dma_start3A_35 = tpu.memref_squeeze %dma_start3A_34 : memref<1x2x80xi32, #tpu.memory_space<vmem>> -> memref<2x80xi32, #tpu.memory_space<vmem>>
      %dma_start3A_36 = arith.constant 0 : i32
      %dma_start3A_37 = arith.constant 0 : i32
      %dma_start3A_38 = tpu.memref_slice %arg3[%add3A, %run_scoped3A, %dma_start3A_36, %dma_start3A_37] : memref<32x126x2x80xi32, #tpu.memory_space<hbm>> -> memref<1x1x2x80xi32, #tpu.memory_space<hbm>>
      %dma_start3A_39 = tpu.memref_squeeze %dma_start3A_38 : memref<1x1x2x80xi32, #tpu.memory_space<hbm>> -> memref<2x80xi32, #tpu.memory_space<hbm>>
      %dma_start3A_40 = arith.constant 0 : i32
      %dma_start3A_41 = arith.constant 0 : i32
      %dma_start3A_42 = tpu.memref_slice %arg7[%run_scoped3A_7, %dma_start3A_40, %dma_start3A_41] : memref<2x2x80xi32, #tpu.memory_space<vmem>> -> memref<1x2x80xi32, #tpu.memory_space<vmem>>
      %dma_start3A_43 = tpu.memref_squeeze %dma_start3A_42 : memref<1x2x80xi32, #tpu.memory_space<vmem>> -> memref<2x80xi32, #tpu.memory_space<vmem>>
      %dma_start3A_44 = arith.constant 0 : i32
      %dma_start3A_45 = arith.constant 0 : i32
      %dma_start3A_46 = tpu.memref_slice %arg3[%add3A, %run_scoped3A, %dma_start3A_44, %dma_start3A_45] : memref<32x126x2x80xi32, #tpu.memory_space<hbm>> -> memref<1x1x2x80xi32, #tpu.memory_space<hbm>>
      %dma_start3A_47 = tpu.memref_squeeze %dma_start3A_46 : memref<1x1x2x80xi32, #tpu.memory_space<hbm>> -> memref<2x80xi32, #tpu.memory_space<hbm>>
      tpu.enqueue_dma source(%dma_start3A_47 : memref<2x80xi32, #tpu.memory_space<hbm>>) target(%dma_start3A_43 : memref<2x80xi32, #tpu.memory_space<vmem>>) target_semaphore(%run_scoped3A_31 : memref<!tpu.dma_semaphore, #tpu.memory_space<semaphore_mem>>)
      %dma_wait3A = arith.constant 0 : i32
      %dma_wait3A_48 = arith.constant 0 : i32
      %dma_wait3A_49 = tpu.memref_slice %arg7[%run_scoped3A_7, %dma_wait3A, %dma_wait3A_48] : memref<2x2x80xi32, #tpu.memory_space<vmem>> -> memref<1x2x80xi32, #tpu.memory_space<vmem>>
      %dma_wait3A_50 = tpu.memref_squeeze %dma_wait3A_49 : memref<1x2x80xi32, #tpu.memory_space<vmem>> -> memref<2x80xi32, #tpu.memory_space<vmem>>
      %dma_wait3A_51 = arith.constant 0 : i32
      %dma_wait3A_52 = arith.constant 0 : i32
      %dma_wait3A_53 = tpu.memref_slice %arg3[%add3A, %run_scoped3A, %dma_wait3A_51, %dma_wait3A_52] : memref<32x126x2x80xi32, #tpu.memory_space<hbm>> -> memref<1x1x2x80xi32, #tpu.memory_space<hbm>>
      %dma_wait3A_54 = tpu.memref_squeeze %dma_wait3A_53 : memref<1x1x2x80xi32, #tpu.memory_space<hbm>> -> memref<2x80xi32, #tpu.memory_space<hbm>>
      %dma_wait3A_55 = arith.constant 0 : i32
      %dma_wait3A_56 = arith.constant 0 : i32
      %dma_wait3A_57 = tpu.memref_slice %arg7[%run_scoped3A_7, %dma_wait3A_55, %dma_wait3A_56] : memref<2x2x80xi32, #tpu.memory_space<vmem>> -> memref<1x2x80xi32, #tpu.memory_space<vmem>>
      %dma_wait3A_58 = tpu.memref_squeeze %dma_wait3A_57 : memref<1x2x80xi32, #tpu.memory_space<vmem>> -> memref<2x80xi32, #tpu.memory_space<vmem>>
      %dma_wait3A_59 = arith.constant 0 : i32
      %dma_wait3A_60 = arith.constant 0 : i32
      %dma_wait3A_61 = tpu.memref_slice %arg3[%add3A, %run_scoped3A, %dma_wait3A_59, %dma_wait3A_60] : memref<32x126x2x80xi32, #tpu.memory_space<hbm>> -> memref<1x1x2x80xi32, #tpu.memory_space<hbm>>
      %dma_wait3A_62 = tpu.memref_squeeze %dma_wait3A_61 : memref<1x1x2x80xi32, #tpu.memory_space<hbm>> -> memref<2x80xi32, #tpu.memory_space<hbm>>
      tpu.wait_dma2 semaphore(%run_scoped3A_31 : memref<!tpu.dma_semaphore, #tpu.memory_space<semaphore_mem>>) src(%dma_wait3A_62 : memref<2x80xi32, #tpu.memory_space<hbm>>) dst(%dma_wait3A_58 : memref<2x80xi32, #tpu.memory_space<vmem>>)
      tpu.yield
    }) : () -> ()
    %run_scoped3A_8 = arith.constant 1 : i32
    %run_scoped3A_9 = arith.constant 1 : i32
    "tpu.region"() ({
      %run_scoped3A_31 = tpu.sem_alloc : memref<!tpu.dma_semaphore, #tpu.memory_space<semaphore_mem>>
      %dma_start3A_32 = arith.constant 0 : i32
      %dma_start3A_33 = arith.constant 0 : i32
      %dma_start3A_34 = tpu.memref_slice %arg7[%run_scoped3A_9, %dma_start3A_32, %dma_start3A_33] : memref<2x2x80xi32, #tpu.memory_space<vmem>> -> memref<1x2x80xi32, #tpu.memory_space<vmem>>
      %dma_start3A_35 = tpu.memref_squeeze %dma_start3A_34 : memref<1x2x80xi32, #tpu.memory_space<vmem>> -> memref<2x80xi32, #tpu.memory_space<vmem>>
      %dma_start3A_36 = arith.constant 0 : i32
      %dma_start3A_37 = arith.constant 0 : i32
      %dma_start3A_38 = tpu.memref_slice %arg3[%add3A, %run_scoped3A_8, %dma_start3A_36, %dma_start3A_37] : memref<32x126x2x80xi32, #tpu.memory_space<hbm>> -> memref<1x1x2x80xi32, #tpu.memory_space<hbm>>
      %dma_start3A_39 = tpu.memref_squeeze %dma_start3A_38 : memref<1x1x2x80xi32, #tpu.memory_space<hbm>> -> memref<2x80xi32, #tpu.memory_space<hbm>>
      %dma_start3A_40 = arith.constant 0 : i32
      %dma_start3A_41 = arith.constant 0 : i32
      %dma_start3A_42 = tpu.memref_slice %arg7[%run_scoped3A_9, %dma_start3A_40, %dma_start3A_41] : memref<2x2x80xi32, #tpu.memory_space<vmem>> -> memref<1x2x80xi32, #tpu.memory_space<vmem>>
      %dma_start3A_43 = tpu.memref_squeeze %dma_start3A_42 : memref<1x2x80xi32, #tpu.memory_space<vmem>> -> memref<2x80xi32, #tpu.memory_space<vmem>>
      %dma_start3A_44 = arith.constant 0 : i32
      %dma_start3A_45 = arith.constant 0 : i32
      %dma_start3A_46 = tpu.memref_slice %arg3[%add3A, %run_scoped3A_8, %dma_start3A_44, %dma_start3A_45] : memref<32x126x2x80xi32, #tpu.memory_space<hbm>> -> memref<1x1x2x80xi32, #tpu.memory_space<hbm>>
      %dma_start3A_47 = tpu.memref_squeeze %dma_start3A_46 : memref<1x1x2x80xi32, #tpu.memory_space<hbm>> -> memref<2x80xi32, #tpu.memory_space<hbm>>
      tpu.enqueue_dma source(%dma_start3A_47 : memref<2x80xi32, #tpu.memory_space<hbm>>) target(%dma_start3A_43 : memref<2x80xi32, #tpu.memory_space<vmem>>) target_semaphore(%run_scoped3A_31 : memref<!tpu.dma_semaphore, #tpu.memory_space<semaphore_mem>>)
      %dma_wait3A = arith.constant 0 : i32
      %dma_wait3A_48 = arith.constant 0 : i32
      %dma_wait3A_49 = tpu.memref_slice %arg7[%run_scoped3A_9, %dma_wait3A, %dma_wait3A_48] : memref<2x2x80xi32, #tpu.memory_space<vmem>> -> memref<1x2x80xi32, #tpu.memory_space<vmem>>
      %dma_wait3A_50 = tpu.memref_squeeze %dma_wait3A_49 : memref<1x2x80xi32, #tpu.memory_space<vmem>> -> memref<2x80xi32, #tpu.memory_space<vmem>>
      %dma_wait3A_51 = arith.constant 0 : i32
      %dma_wait3A_52 = arith.constant 0 : i32
      %dma_wait3A_53 = tpu.memref_slice %arg3[%add3A, %run_scoped3A_8, %dma_wait3A_51, %dma_wait3A_52] : memref<32x126x2x80xi32, #tpu.memory_space<hbm>> -> memref<1x1x2x80xi32, #tpu.memory_space<hbm>>
      %dma_wait3A_54 = tpu.memref_squeeze %dma_wait3A_53 : memref<1x1x2x80xi32, #tpu.memory_space<hbm>> -> memref<2x80xi32, #tpu.memory_space<hbm>>
      %dma_wait3A_55 = arith.constant 0 : i32
      %dma_wait3A_56 = arith.constant 0 : i32
      %dma_wait3A_57 = tpu.memref_slice %arg7[%run_scoped3A_9, %dma_wait3A_55, %dma_wait3A_56] : memref<2x2x80xi32, #tpu.memory_space<vmem>> -> memref<1x2x80xi32, #tpu.memory_space<vmem>>
      %dma_wait3A_58 = tpu.memref_squeeze %dma_wait3A_57 : memref<1x2x80xi32, #tpu.memory_space<vmem>> -> memref<2x80xi32, #tpu.memory_space<vmem>>
      %dma_wait3A_59 = arith.constant 0 : i32
      %dma_wait3A_60 = arith.constant 0 : i32
      %dma_wait3A_61 = tpu.memref_slice %arg3[%add3A, %run_scoped3A_8, %dma_wait3A_59, %dma_wait3A_60] : memref<32x126x2x80xi32, #tpu.memory_space<hbm>> -> memref<1x1x2x80xi32, #tpu.memory_space<hbm>>
      %dma_wait3A_62 = tpu.memref_squeeze %dma_wait3A_61 : memref<1x1x2x80xi32, #tpu.memory_space<hbm>> -> memref<2x80xi32, #tpu.memory_space<hbm>>
      tpu.wait_dma2 semaphore(%run_scoped3A_31 : memref<!tpu.dma_semaphore, #tpu.memory_space<semaphore_mem>>) src(%dma_wait3A_62 : memref<2x80xi32, #tpu.memory_space<hbm>>) dst(%dma_wait3A_58 : memref<2x80xi32, #tpu.memory_space<vmem>>)
      tpu.yield
    }) : () -> ()
    %dma_start3A = arith.constant 0 : i32
    %dma_start3A_10 = arith.constant 0 : i32
    %dma_start3A_11 = arith.constant 0 : i32
    %dma_start3A_12 = tpu.memref_slice %arg7[%dma_start3A, %dma_start3A_10, %dma_start3A_11] : memref<2x2x80xi32, #tpu.memory_space<vmem>> -> memref<1x1x80xi32, #tpu.memory_space<vmem>>
    %dma_start3A_13 = tpu.memref_squeeze %dma_start3A_12 : memref<1x1x80xi32, #tpu.memory_space<vmem>> -> memref<80xi32, #tpu.memory_space<vmem>>
    %dma_start3A_14 = arith.constant 0 : i32
    %dma_start3A_15 = arith.constant 0 : i32
    %dma_start3A_16 = tpu.memref_slice %arg2[%dma_start3A_14, %dma_start3A_15] : memref<10000x128xf32, #tpu.memory_space<hbm>> -> memref<10000x128xf32, #tpu.memory_space<hbm>>
    tpu.enqueue_indirect_dma source(%dma_start3A_16 : memref<10000x128xf32, #tpu.memory_space<hbm>>) target(%arg8 : memref<80x128xf32, #tpu.memory_space<vmem>>) offsets(%dma_start3A_13 : memref<80xi32, #tpu.memory_space<vmem>>) semaphore(%arg10 : memref<!tpu.dma_semaphore, #tpu.memory_space<semaphore_mem>>)
    %while3A = arith.constant 0 : i32
    %while3A_17 = arith.constant 0 : i32
    %while3A_18 = arith.subi %select_n3A, %while3A_17 : i32
    %while3A_19 = arith.addi %while3A_17, %while3A_18 : i32
    %while3A_20 = arith.constant 1 : i32
    %while3A_21 = arith.divsi %while3A_18, %while3A_20 : i32
    %while3A_22 = arith.muli %while3A_21, %while3A_20 : i32
    %while3A_23 = arith.addi %while3A_17, %while3A_22 : i32
    %while3A_24 = arith.constant 1 : i32
    scf.for %while3A_31 = %while3A_17 to %while3A_23 step %while3A_24  : i32 {
      %mul3A_32 = arith.constant 2 : i32
      %mul3A_33 = arith.muli %mul3A_32, %while3A_31 : i32
      %dma_wait3A = arith.constant 0 : i32
      %dma_wait3A_34 = arith.constant 0 : i32
      %dma_wait3A_35 = arith.constant 0 : i32
      %dma_wait3A_36 = tpu.memref_slice %arg7[%dma_wait3A, %dma_wait3A_34, %dma_wait3A_35] : memref<2x2x80xi32, #tpu.memory_space<vmem>> -> memref<1x1x80xi32, #tpu.memory_space<vmem>>
      %dma_wait3A_37 = tpu.memref_squeeze %dma_wait3A_36 : memref<1x1x80xi32, #tpu.memory_space<vmem>> -> memref<80xi32, #tpu.memory_space<vmem>>
      %dma_wait3A_38 = arith.constant 0 : i32
      %dma_wait3A_39 = arith.constant 0 : i32
      %dma_wait3A_40 = tpu.memref_slice %arg2[%dma_wait3A_38, %dma_wait3A_39] : memref<10000x128xf32, #tpu.memory_space<hbm>> -> memref<10000x128xf32, #tpu.memory_space<hbm>>
      tpu.wait_indirect_dma semaphore(%arg10 : memref<!tpu.dma_semaphore, #tpu.memory_space<semaphore_mem>>) src(%dma_wait3A_40 : memref<10000x128xf32, #tpu.memory_space<hbm>>) dst(%arg8 : memref<80x128xf32, #tpu.memory_space<vmem>>)
      %dma_start3A_41 = arith.constant 1 : i32
      %dma_start3A_42 = arith.constant 0 : i32
      %dma_start3A_43 = arith.constant 0 : i32
      %dma_start3A_44 = tpu.memref_slice %arg7[%dma_start3A_41, %dma_start3A_42, %dma_start3A_43] : memref<2x2x80xi32, #tpu.memory_space<vmem>> -> memref<1x1x80xi32, #tpu.memory_space<vmem>>
      %dma_start3A_45 = tpu.memref_squeeze %dma_start3A_44 : memref<1x1x80xi32, #tpu.memory_space<vmem>> -> memref<80xi32, #tpu.memory_space<vmem>>
      %dma_start3A_46 = arith.constant 0 : i32
      %dma_start3A_47 = arith.constant 0 : i32
      %dma_start3A_48 = tpu.memref_slice %arg2[%dma_start3A_46, %dma_start3A_47] : memref<10000x128xf32, #tpu.memory_space<hbm>> -> memref<10000x128xf32, #tpu.memory_space<hbm>>
      tpu.enqueue_indirect_dma source(%dma_start3A_48 : memref<10000x128xf32, #tpu.memory_space<hbm>>) target(%arg9 : memref<80x128xf32, #tpu.memory_space<vmem>>) offsets(%dma_start3A_45 : memref<80xi32, #tpu.memory_space<vmem>>) semaphore(%arg11 : memref<!tpu.dma_semaphore, #tpu.memory_space<semaphore_mem>>)
      %run_scoped3A_49 = arith.constant 0 : i32
      %run_scoped3A_50 = arith.constant 1 : i32
      "tpu.region"() ({
        %run_scoped3A_75 = tpu.sem_alloc : memref<!tpu.dma_semaphore, #tpu.memory_space<semaphore_mem>>
        %dma_start3A_76 = arith.constant 0 : i32
        %dma_start3A_77 = tpu.memref_slice %arg7[%run_scoped3A_49, %run_scoped3A_50, %dma_start3A_76] : memref<2x2x80xi32, #tpu.memory_space<vmem>> -> memref<1x1x80xi32, #tpu.memory_space<vmem>>
        %dma_start3A_78 = tpu.memref_squeeze %dma_start3A_77 : memref<1x1x80xi32, #tpu.memory_space<vmem>> -> memref<80xi32, #tpu.memory_space<vmem>>
        %dma_start3A_79 = arith.constant 0 : i32
        %dma_start3A_80 = arith.constant 0 : i32
        %dma_start3A_81 = tpu.memref_slice %arg6[%dma_start3A_79, %dma_start3A_80] : memref<10112x128xf32, #tpu.memory_space<vmem_shared>> -> memref<10112x128xf32, #tpu.memory_space<vmem_shared>>
        tpu.enqueue_indirect_dma source(%arg8 : memref<80x128xf32, #tpu.memory_space<vmem>>) target(%dma_start3A_81 : memref<10112x128xf32, #tpu.memory_space<vmem_shared>>) offsets(%dma_start3A_78 : memref<80xi32, #tpu.memory_space<vmem>>) semaphore(%run_scoped3A_75 : memref<!tpu.dma_semaphore, #tpu.memory_space<semaphore_mem>>) {add = true}
        %dma_wait3A_82 = arith.constant 0 : i32
        %dma_wait3A_83 = tpu.memref_slice %arg7[%run_scoped3A_49, %run_scoped3A_50, %dma_wait3A_82] : memref<2x2x80xi32, #tpu.memory_space<vmem>> -> memref<1x1x80xi32, #tpu.memory_space<vmem>>
        %dma_wait3A_84 = tpu.memref_squeeze %dma_wait3A_83 : memref<1x1x80xi32, #tpu.memory_space<vmem>> -> memref<80xi32, #tpu.memory_space<vmem>>
        %dma_wait3A_85 = arith.constant 0 : i32
        %dma_wait3A_86 = arith.constant 0 : i32
        %dma_wait3A_87 = tpu.memref_slice %arg6[%dma_wait3A_85, %dma_wait3A_86] : memref<10112x128xf32, #tpu.memory_space<vmem_shared>> -> memref<10112x128xf32, #tpu.memory_space<vmem_shared>>
        tpu.wait_indirect_dma semaphore(%run_scoped3A_75 : memref<!tpu.dma_semaphore, #tpu.memory_space<semaphore_mem>>) src(%arg8 : memref<80x128xf32, #tpu.memory_space<vmem>>) dst(%dma_wait3A_87 : memref<10112x128xf32, #tpu.memory_space<vmem_shared>>)
        tpu.yield
      }) : () -> ()
      %sub3A = arith.constant 1 : i32
      %sub3A_51 = arith.subi %select_n3A, %sub3A : i32
      %lt3A = arith.cmpi slt, %while3A_31, %sub3A_51 : i32
      %convert_element_type3A = arith.extui %lt3A : i1 to i32
      %cond3A = arith.constant 0 : i32
      %cond3A_52 = arith.cmpi ne, %convert_element_type3A, %cond3A : i32
      scf.if %cond3A_52 {
        %add3A_75 = arith.constant 2 : i32
        %add3A_76 = arith.addi %mul3A_33, %add3A_75 : i32
        %dma_start3A_77 = arith.constant 0 : i32
        %dma_start3A_78 = arith.constant 0 : i32
        %dma_start3A_79 = arith.constant 0 : i32
        %dma_start3A_80 = tpu.memref_slice %arg7[%dma_start3A_77, %dma_start3A_78, %dma_start3A_79] : memref<2x2x80xi32, #tpu.memory_space<vmem>> -> memref<1x2x80xi32, #tpu.memory_space<vmem>>
        %dma_start3A_81 = tpu.memref_squeeze %dma_start3A_80 : memref<1x2x80xi32, #tpu.memory_space<vmem>> -> memref<2x80xi32, #tpu.memory_space<vmem>>
        %dma_start3A_82 = arith.constant 0 : i32
        %dma_start3A_83 = arith.constant 0 : i32
        %dma_start3A_84 = tpu.memref_slice %arg3[%add3A, %add3A_76, %dma_start3A_82, %dma_start3A_83] : memref<32x126x2x80xi32, #tpu.memory_space<hbm>> -> memref<1x1x2x80xi32, #tpu.memory_space<hbm>>
        %dma_start3A_85 = tpu.memref_squeeze %dma_start3A_84 : memref<1x1x2x80xi32, #tpu.memory_space<hbm>> -> memref<2x80xi32, #tpu.memory_space<hbm>>
        %dma_start3A_86 = arith.constant 0 : i32
        %dma_start3A_87 = arith.constant 0 : i32
        %dma_start3A_88 = tpu.memref_slice %arg7[%dma_start3A_77, %dma_start3A_86, %dma_start3A_87] : memref<2x2x80xi32, #tpu.memory_space<vmem>> -> memref<1x2x80xi32, #tpu.memory_space<vmem>>
        %dma_start3A_89 = tpu.memref_squeeze %dma_start3A_88 : memref<1x2x80xi32, #tpu.memory_space<vmem>> -> memref<2x80xi32, #tpu.memory_space<vmem>>
        %dma_start3A_90 = arith.constant 0 : i32
        %dma_start3A_91 = arith.constant 0 : i32
        %dma_start3A_92 = tpu.memref_slice %arg3[%add3A, %add3A_76, %dma_start3A_90, %dma_start3A_91] : memref<32x126x2x80xi32, #tpu.memory_space<hbm>> -> memref<1x1x2x80xi32, #tpu.memory_space<hbm>>
        %dma_start3A_93 = tpu.memref_squeeze %dma_start3A_92 : memref<1x1x2x80xi32, #tpu.memory_space<hbm>> -> memref<2x80xi32, #tpu.memory_space<hbm>>
        tpu.enqueue_dma source(%dma_start3A_93 : memref<2x80xi32, #tpu.memory_space<hbm>>) target(%dma_start3A_89 : memref<2x80xi32, #tpu.memory_space<vmem>>) target_semaphore(%arg12 : memref<!tpu.dma_semaphore, #tpu.memory_space<semaphore_mem>>)
      } else {
      }
      %sub3A_53 = arith.constant 1 : i32
      %sub3A_54 = arith.subi %select_n3A, %sub3A_53 : i32
      %lt3A_55 = arith.cmpi slt, %while3A_31, %sub3A_54 : i32
      %convert_element_type3A_56 = arith.extui %lt3A_55 : i1 to i32
      %cond3A_57 = arith.constant 0 : i32
      %cond3A_58 = arith.cmpi ne, %convert_element_type3A_56, %cond3A_57 : i32
      scf.if %cond3A_58 {
        %add3A_75 = arith.constant 2 : i32
        %add3A_76 = arith.addi %mul3A_33, %add3A_75 : i32
        %dma_wait3A_77 = arith.constant 0 : i32
        %dma_wait3A_78 = arith.constant 0 : i32
        %dma_wait3A_79 = arith.constant 0 : i32
        %dma_wait3A_80 = tpu.memref_slice %arg7[%dma_wait3A_77, %dma_wait3A_78, %dma_wait3A_79] : memref<2x2x80xi32, #tpu.memory_space<vmem>> -> memref<1x2x80xi32, #tpu.memory_space<vmem>>
        %dma_wait3A_81 = tpu.memref_squeeze %dma_wait3A_80 : memref<1x2x80xi32, #tpu.memory_space<vmem>> -> memref<2x80xi32, #tpu.memory_space<vmem>>
        %dma_wait3A_82 = arith.constant 0 : i32
        %dma_wait3A_83 = arith.constant 0 : i32
        %dma_wait3A_84 = tpu.memref_slice %arg3[%add3A, %add3A_76, %dma_wait3A_82, %dma_wait3A_83] : memref<32x126x2x80xi32, #tpu.memory_space<hbm>> -> memref<1x1x2x80xi32, #tpu.memory_space<hbm>>
        %dma_wait3A_85 = tpu.memref_squeeze %dma_wait3A_84 : memref<1x1x2x80xi32, #tpu.memory_space<hbm>> -> memref<2x80xi32, #tpu.memory_space<hbm>>
        %dma_wait3A_86 = arith.constant 0 : i32
        %dma_wait3A_87 = arith.constant 0 : i32
        %dma_wait3A_88 = tpu.memref_slice %arg7[%dma_wait3A_77, %dma_wait3A_86, %dma_wait3A_87] : memref<2x2x80xi32, #tpu.memory_space<vmem>> -> memref<1x2x80xi32, #tpu.memory_space<vmem>>
        %dma_wait3A_89 = tpu.memref_squeeze %dma_wait3A_88 : memref<1x2x80xi32, #tpu.memory_space<vmem>> -> memref<2x80xi32, #tpu.memory_space<vmem>>
        %dma_wait3A_90 = arith.constant 0 : i32
        %dma_wait3A_91 = arith.constant 0 : i32
        %dma_wait3A_92 = tpu.memref_slice %arg3[%add3A, %add3A_76, %dma_wait3A_90, %dma_wait3A_91] : memref<32x126x2x80xi32, #tpu.memory_space<hbm>> -> memref<1x1x2x80xi32, #tpu.memory_space<hbm>>
        %dma_wait3A_93 = tpu.memref_squeeze %dma_wait3A_92 : memref<1x1x2x80xi32, #tpu.memory_space<hbm>> -> memref<2x80xi32, #tpu.memory_space<hbm>>
        tpu.wait_dma2 semaphore(%arg12 : memref<!tpu.dma_semaphore, #tpu.memory_space<semaphore_mem>>) src(%dma_wait3A_93 : memref<2x80xi32, #tpu.memory_space<hbm>>) dst(%dma_wait3A_89 : memref<2x80xi32, #tpu.memory_space<vmem>>)
        %dma_start3A_94 = arith.constant 0 : i32
        %dma_start3A_95 = arith.constant 0 : i32
        %dma_start3A_96 = arith.constant 0 : i32
        %dma_start3A_97 = tpu.memref_slice %arg7[%dma_start3A_94, %dma_start3A_95, %dma_start3A_96] : memref<2x2x80xi32, #tpu.memory_space<vmem>> -> memref<1x1x80xi32, #tpu.memory_space<vmem>>
        %dma_start3A_98 = tpu.memref_squeeze %dma_start3A_97 : memref<1x1x80xi32, #tpu.memory_space<vmem>> -> memref<80xi32, #tpu.memory_space<vmem>>
        %dma_start3A_99 = arith.constant 0 : i32
        %dma_start3A_100 = arith.constant 0 : i32
        %dma_start3A_101 = tpu.memref_slice %arg2[%dma_start3A_99, %dma_start3A_100] : memref<10000x128xf32, #tpu.memory_space<hbm>> -> memref<10000x128xf32, #tpu.memory_space<hbm>>
        tpu.enqueue_indirect_dma source(%dma_start3A_101 : memref<10000x128xf32, #tpu.memory_space<hbm>>) target(%arg8 : memref<80x128xf32, #tpu.memory_space<vmem>>) offsets(%dma_start3A_98 : memref<80xi32, #tpu.memory_space<vmem>>) semaphore(%arg10 : memref<!tpu.dma_semaphore, #tpu.memory_space<semaphore_mem>>)
      } else {
      }
      %dma_wait3A_59 = arith.constant 1 : i32
      %dma_wait3A_60 = arith.constant 0 : i32
      %dma_wait3A_61 = arith.constant 0 : i32
      %dma_wait3A_62 = tpu.memref_slice %arg7[%dma_wait3A_59, %dma_wait3A_60, %dma_wait3A_61] : memref<2x2x80xi32, #tpu.memory_space<vmem>> -> memref<1x1x80xi32, #tpu.memory_space<vmem>>
      %dma_wait3A_63 = tpu.memref_squeeze %dma_wait3A_62 : memref<1x1x80xi32, #tpu.memory_space<vmem>> -> memref<80xi32, #tpu.memory_space<vmem>>
      %dma_wait3A_64 = arith.constant 0 : i32
      %dma_wait3A_65 = arith.constant 0 : i32
      %dma_wait3A_66 = tpu.memref_slice %arg2[%dma_wait3A_64, %dma_wait3A_65] : memref<10000x128xf32, #tpu.memory_space<hbm>> -> memref<10000x128xf32, #tpu.memory_space<hbm>>
      tpu.wait_indirect_dma semaphore(%arg11 : memref<!tpu.dma_semaphore, #tpu.memory_space<semaphore_mem>>) src(%dma_wait3A_66 : memref<10000x128xf32, #tpu.memory_space<hbm>>) dst(%arg9 : memref<80x128xf32, #tpu.memory_space<vmem>>)
      %run_scoped3A_67 = arith.constant 1 : i32
      %run_scoped3A_68 = arith.constant 1 : i32
      "tpu.region"() ({
        %run_scoped3A_75 = tpu.sem_alloc : memref<!tpu.dma_semaphore, #tpu.memory_space<semaphore_mem>>
        %dma_start3A_76 = arith.constant 0 : i32
        %dma_start3A_77 = tpu.memref_slice %arg7[%run_scoped3A_67, %run_scoped3A_68, %dma_start3A_76] : memref<2x2x80xi32, #tpu.memory_space<vmem>> -> memref<1x1x80xi32, #tpu.memory_space<vmem>>
        %dma_start3A_78 = tpu.memref_squeeze %dma_start3A_77 : memref<1x1x80xi32, #tpu.memory_space<vmem>> -> memref<80xi32, #tpu.memory_space<vmem>>
        %dma_start3A_79 = arith.constant 0 : i32
        %dma_start3A_80 = arith.constant 0 : i32
        %dma_start3A_81 = tpu.memref_slice %arg6[%dma_start3A_79, %dma_start3A_80] : memref<10112x128xf32, #tpu.memory_space<vmem_shared>> -> memref<10112x128xf32, #tpu.memory_space<vmem_shared>>
        tpu.enqueue_indirect_dma source(%arg9 : memref<80x128xf32, #tpu.memory_space<vmem>>) target(%dma_start3A_81 : memref<10112x128xf32, #tpu.memory_space<vmem_shared>>) offsets(%dma_start3A_78 : memref<80xi32, #tpu.memory_space<vmem>>) semaphore(%run_scoped3A_75 : memref<!tpu.dma_semaphore, #tpu.memory_space<semaphore_mem>>) {add = true}
        %dma_wait3A_82 = arith.constant 0 : i32
        %dma_wait3A_83 = tpu.memref_slice %arg7[%run_scoped3A_67, %run_scoped3A_68, %dma_wait3A_82] : memref<2x2x80xi32, #tpu.memory_space<vmem>> -> memref<1x1x80xi32, #tpu.memory_space<vmem>>
        %dma_wait3A_84 = tpu.memref_squeeze %dma_wait3A_83 : memref<1x1x80xi32, #tpu.memory_space<vmem>> -> memref<80xi32, #tpu.memory_space<vmem>>
        %dma_wait3A_85 = arith.constant 0 : i32
        %dma_wait3A_86 = arith.constant 0 : i32
        %dma_wait3A_87 = tpu.memref_slice %arg6[%dma_wait3A_85, %dma_wait3A_86] : memref<10112x128xf32, #tpu.memory_space<vmem_shared>> -> memref<10112x128xf32, #tpu.memory_space<vmem_shared>>
        tpu.wait_indirect_dma semaphore(%run_scoped3A_75 : memref<!tpu.dma_semaphore, #tpu.memory_space<semaphore_mem>>) src(%arg9 : memref<80x128xf32, #tpu.memory_space<vmem>>) dst(%dma_wait3A_87 : memref<10112x128xf32, #tpu.memory_space<vmem_shared>>)
        tpu.yield
      }) : () -> ()
      %sub3A_69 = arith.constant 1 : i32
      %sub3A_70 = arith.subi %select_n3A, %sub3A_69 : i32
      %lt3A_71 = arith.cmpi slt, %while3A_31, %sub3A_70 : i32
      %convert_element_type3A_72 = arith.extui %lt3A_71 : i1 to i32
      %cond3A_73 = arith.constant 0 : i32
      %cond3A_74 = arith.cmpi ne, %convert_element_type3A_72, %cond3A_73 : i32
      scf.if %cond3A_74 {
        %add3A_75 = arith.constant 3 : i32
        %add3A_76 = arith.addi %mul3A_33, %add3A_75 : i32
        %dma_start3A_77 = arith.constant 1 : i32
        %dma_start3A_78 = arith.constant 0 : i32
        %dma_start3A_79 = arith.constant 0 : i32
        %dma_start3A_80 = tpu.memref_slice %arg7[%dma_start3A_77, %dma_start3A_78, %dma_start3A_79] : memref<2x2x80xi32, #tpu.memory_space<vmem>> -> memref<1x2x80xi32, #tpu.memory_space<vmem>>
        %dma_start3A_81 = tpu.memref_squeeze %dma_start3A_80 : memref<1x2x80xi32, #tpu.memory_space<vmem>> -> memref<2x80xi32, #tpu.memory_space<vmem>>
        %dma_start3A_82 = arith.constant 0 : i32
        %dma_start3A_83 = arith.constant 0 : i32
        %dma_start3A_84 = tpu.memref_slice %arg3[%add3A, %add3A_76, %dma_start3A_82, %dma_start3A_83] : memref<32x126x2x80xi32, #tpu.memory_space<hbm>> -> memref<1x1x2x80xi32, #tpu.memory_space<hbm>>
        %dma_start3A_85 = tpu.memref_squeeze %dma_start3A_84 : memref<1x1x2x80xi32, #tpu.memory_space<hbm>> -> memref<2x80xi32, #tpu.memory_space<hbm>>
        %dma_start3A_86 = arith.constant 0 : i32
        %dma_start3A_87 = arith.constant 0 : i32
        %dma_start3A_88 = tpu.memref_slice %arg7[%dma_start3A_77, %dma_start3A_86, %dma_start3A_87] : memref<2x2x80xi32, #tpu.memory_space<vmem>> -> memref<1x2x80xi32, #tpu.memory_space<vmem>>
        %dma_start3A_89 = tpu.memref_squeeze %dma_start3A_88 : memref<1x2x80xi32, #tpu.memory_space<vmem>> -> memref<2x80xi32, #tpu.memory_space<vmem>>
        %dma_start3A_90 = arith.constant 0 : i32
        %dma_start3A_91 = arith.constant 0 : i32
        %dma_start3A_92 = tpu.memref_slice %arg3[%add3A, %add3A_76, %dma_start3A_90, %dma_start3A_91] : memref<32x126x2x80xi32, #tpu.memory_space<hbm>> -> memref<1x1x2x80xi32, #tpu.memory_space<hbm>>
        %dma_start3A_93 = tpu.memref_squeeze %dma_start3A_92 : memref<1x1x2x80xi32, #tpu.memory_space<hbm>> -> memref<2x80xi32, #tpu.memory_space<hbm>>
        tpu.enqueue_dma source(%dma_start3A_93 : memref<2x80xi32, #tpu.memory_space<hbm>>) target(%dma_start3A_89 : memref<2x80xi32, #tpu.memory_space<vmem>>) target_semaphore(%arg13 : memref<!tpu.dma_semaphore, #tpu.memory_space<semaphore_mem>>)
        %add3A_94 = arith.constant 3 : i32
        %add3A_95 = arith.addi %mul3A_33, %add3A_94 : i32
        %dma_wait3A_96 = arith.constant 1 : i32
        %dma_wait3A_97 = arith.constant 0 : i32
        %dma_wait3A_98 = arith.constant 0 : i32
        %dma_wait3A_99 = tpu.memref_slice %arg7[%dma_wait3A_96, %dma_wait3A_97, %dma_wait3A_98] : memref<2x2x80xi32, #tpu.memory_space<vmem>> -> memref<1x2x80xi32, #tpu.memory_space<vmem>>
        %dma_wait3A_100 = tpu.memref_squeeze %dma_wait3A_99 : memref<1x2x80xi32, #tpu.memory_space<vmem>> -> memref<2x80xi32, #tpu.memory_space<vmem>>
        %dma_wait3A_101 = arith.constant 0 : i32
        %dma_wait3A_102 = arith.constant 0 : i32
        %dma_wait3A_103 = tpu.memref_slice %arg3[%add3A, %add3A_95, %dma_wait3A_101, %dma_wait3A_102] : memref<32x126x2x80xi32, #tpu.memory_space<hbm>> -> memref<1x1x2x80xi32, #tpu.memory_space<hbm>>
        %dma_wait3A_104 = tpu.memref_squeeze %dma_wait3A_103 : memref<1x1x2x80xi32, #tpu.memory_space<hbm>> -> memref<2x80xi32, #tpu.memory_space<hbm>>
        %dma_wait3A_105 = arith.constant 0 : i32
        %dma_wait3A_106 = arith.constant 0 : i32
        %dma_wait3A_107 = tpu.memref_slice %arg7[%dma_wait3A_96, %dma_wait3A_105, %dma_wait3A_106] : memref<2x2x80xi32, #tpu.memory_space<vmem>> -> memref<1x2x80xi32, #tpu.memory_space<vmem>>
        %dma_wait3A_108 = tpu.memref_squeeze %dma_wait3A_107 : memref<1x2x80xi32, #tpu.memory_space<vmem>> -> memref<2x80xi32, #tpu.memory_space<vmem>>
        %dma_wait3A_109 = arith.constant 0 : i32
        %dma_wait3A_110 = arith.constant 0 : i32
        %dma_wait3A_111 = tpu.memref_slice %arg3[%add3A, %add3A_95, %dma_wait3A_109, %dma_wait3A_110] : memref<32x126x2x80xi32, #tpu.memory_space<hbm>> -> memref<1x1x2x80xi32, #tpu.memory_space<hbm>>
        %dma_wait3A_112 = tpu.memref_squeeze %dma_wait3A_111 : memref<1x1x2x80xi32, #tpu.memory_space<hbm>> -> memref<2x80xi32, #tpu.memory_space<hbm>>
        tpu.wait_dma2 semaphore(%arg13 : memref<!tpu.dma_semaphore, #tpu.memory_space<semaphore_mem>>) src(%dma_wait3A_112 : memref<2x80xi32, #tpu.memory_space<hbm>>) dst(%dma_wait3A_108 : memref<2x80xi32, #tpu.memory_space<vmem>>)
      } else {
      }
    }
    %while3A_25 = arith.constant 1 : i32
    scf.for %while3A_31 = %while3A_23 to %while3A_19 step %while3A_25  : i32 {
      %mul3A_32 = arith.constant 2 : i32
      %mul3A_33 = arith.muli %mul3A_32, %while3A_31 : i32
      %dma_wait3A = arith.constant 0 : i32
      %dma_wait3A_34 = arith.constant 0 : i32
      %dma_wait3A_35 = arith.constant 0 : i32
      %dma_wait3A_36 = tpu.memref_slice %arg7[%dma_wait3A, %dma_wait3A_34, %dma_wait3A_35] : memref<2x2x80xi32, #tpu.memory_space<vmem>> -> memref<1x1x80xi32, #tpu.memory_space<vmem>>
      %dma_wait3A_37 = tpu.memref_squeeze %dma_wait3A_36 : memref<1x1x80xi32, #tpu.memory_space<vmem>> -> memref<80xi32, #tpu.memory_space<vmem>>
      %dma_wait3A_38 = arith.constant 0 : i32
      %dma_wait3A_39 = arith.constant 0 : i32
      %dma_wait3A_40 = tpu.memref_slice %arg2[%dma_wait3A_38, %dma_wait3A_39] : memref<10000x128xf32, #tpu.memory_space<hbm>> -> memref<10000x128xf32, #tpu.memory_space<hbm>>
      tpu.wait_indirect_dma semaphore(%arg10 : memref<!tpu.dma_semaphore, #tpu.memory_space<semaphore_mem>>) src(%dma_wait3A_40 : memref<10000x128xf32, #tpu.memory_space<hbm>>) dst(%arg8 : memref<80x128xf32, #tpu.memory_space<vmem>>)
      %dma_start3A_41 = arith.constant 1 : i32
      %dma_start3A_42 = arith.constant 0 : i32
      %dma_start3A_43 = arith.constant 0 : i32
      %dma_start3A_44 = tpu.memref_slice %arg7[%dma_start3A_41, %dma_start3A_42, %dma_start3A_43] : memref<2x2x80xi32, #tpu.memory_space<vmem>> -> memref<1x1x80xi32, #tpu.memory_space<vmem>>
      %dma_start3A_45 = tpu.memref_squeeze %dma_start3A_44 : memref<1x1x80xi32, #tpu.memory_space<vmem>> -> memref<80xi32, #tpu.memory_space<vmem>>
      %dma_start3A_46 = arith.constant 0 : i32
      %dma_start3A_47 = arith.constant 0 : i32
      %dma_start3A_48 = tpu.memref_slice %arg2[%dma_start3A_46, %dma_start3A_47] : memref<10000x128xf32, #tpu.memory_space<hbm>> -> memref<10000x128xf32, #tpu.memory_space<hbm>>
      tpu.enqueue_indirect_dma source(%dma_start3A_48 : memref<10000x128xf32, #tpu.memory_space<hbm>>) target(%arg9 : memref<80x128xf32, #tpu.memory_space<vmem>>) offsets(%dma_start3A_45 : memref<80xi32, #tpu.memory_space<vmem>>) semaphore(%arg11 : memref<!tpu.dma_semaphore, #tpu.memory_space<semaphore_mem>>)
      %run_scoped3A_49 = arith.constant 0 : i32
      %run_scoped3A_50 = arith.constant 1 : i32
      "tpu.region"() ({
        %run_scoped3A_75 = tpu.sem_alloc : memref<!tpu.dma_semaphore, #tpu.memory_space<semaphore_mem>>
        %dma_start3A_76 = arith.constant 0 : i32
        %dma_start3A_77 = tpu.memref_slice %arg7[%run_scoped3A_49, %run_scoped3A_50, %dma_start3A_76] : memref<2x2x80xi32, #tpu.memory_space<vmem>> -> memref<1x1x80xi32, #tpu.memory_space<vmem>>
        %dma_start3A_78 = tpu.memref_squeeze %dma_start3A_77 : memref<1x1x80xi32, #tpu.memory_space<vmem>> -> memref<80xi32, #tpu.memory_space<vmem>>
        %dma_start3A_79 = arith.constant 0 : i32
        %dma_start3A_80 = arith.constant 0 : i32
        %dma_start3A_81 = tpu.memref_slice %arg6[%dma_start3A_79, %dma_start3A_80] : memref<10112x128xf32, #tpu.memory_space<vmem_shared>> -> memref<10112x128xf32, #tpu.memory_space<vmem_shared>>
        tpu.enqueue_indirect_dma source(%arg8 : memref<80x128xf32, #tpu.memory_space<vmem>>) target(%dma_start3A_81 : memref<10112x128xf32, #tpu.memory_space<vmem_shared>>) offsets(%dma_start3A_78 : memref<80xi32, #tpu.memory_space<vmem>>) semaphore(%run_scoped3A_75 : memref<!tpu.dma_semaphore, #tpu.memory_space<semaphore_mem>>) {add = true}
        %dma_wait3A_82 = arith.constant 0 : i32
        %dma_wait3A_83 = tpu.memref_slice %arg7[%run_scoped3A_49, %run_scoped3A_50, %dma_wait3A_82] : memref<2x2x80xi32, #tpu.memory_space<vmem>> -> memref<1x1x80xi32, #tpu.memory_space<vmem>>
        %dma_wait3A_84 = tpu.memref_squeeze %dma_wait3A_83 : memref<1x1x80xi32, #tpu.memory_space<vmem>> -> memref<80xi32, #tpu.memory_space<vmem>>
        %dma_wait3A_85 = arith.constant 0 : i32
        %dma_wait3A_86 = arith.constant 0 : i32
        %dma_wait3A_87 = tpu.memref_slice %arg6[%dma_wait3A_85, %dma_wait3A_86] : memref<10112x128xf32, #tpu.memory_space<vmem_shared>> -> memref<10112x128xf32, #tpu.memory_space<vmem_shared>>
        tpu.wait_indirect_dma semaphore(%run_scoped3A_75 : memref<!tpu.dma_semaphore, #tpu.memory_space<semaphore_mem>>) src(%arg8 : memref<80x128xf32, #tpu.memory_space<vmem>>) dst(%dma_wait3A_87 : memref<10112x128xf32, #tpu.memory_space<vmem_shared>>)
        tpu.yield
      }) : () -> ()
      %sub3A = arith.constant 1 : i32
      %sub3A_51 = arith.subi %select_n3A, %sub3A : i32
      %lt3A = arith.cmpi slt, %while3A_31, %sub3A_51 : i32
      %convert_element_type3A = arith.extui %lt3A : i1 to i32
      %cond3A = arith.constant 0 : i32
      %cond3A_52 = arith.cmpi ne, %convert_element_type3A, %cond3A : i32
      scf.if %cond3A_52 {
        %add3A_75 = arith.constant 2 : i32
        %add3A_76 = arith.addi %mul3A_33, %add3A_75 : i32
        %dma_start3A_77 = arith.constant 0 : i32
        %dma_start3A_78 = arith.constant 0 : i32
        %dma_start3A_79 = arith.constant 0 : i32
        %dma_start3A_80 = tpu.memref_slice %arg7[%dma_start3A_77, %dma_start3A_78, %dma_start3A_79] : memref<2x2x80xi32, #tpu.memory_space<vmem>> -> memref<1x2x80xi32, #tpu.memory_space<vmem>>
        %dma_start3A_81 = tpu.memref_squeeze %dma_start3A_80 : memref<1x2x80xi32, #tpu.memory_space<vmem>> -> memref<2x80xi32, #tpu.memory_space<vmem>>
        %dma_start3A_82 = arith.constant 0 : i32
        %dma_start3A_83 = arith.constant 0 : i32
        %dma_start3A_84 = tpu.memref_slice %arg3[%add3A, %add3A_76, %dma_start3A_82, %dma_start3A_83] : memref<32x126x2x80xi32, #tpu.memory_space<hbm>> -> memref<1x1x2x80xi32, #tpu.memory_space<hbm>>
        %dma_start3A_85 = tpu.memref_squeeze %dma_start3A_84 : memref<1x1x2x80xi32, #tpu.memory_space<hbm>> -> memref<2x80xi32, #tpu.memory_space<hbm>>
        %dma_start3A_86 = arith.constant 0 : i32
        %dma_start3A_87 = arith.constant 0 : i32
        %dma_start3A_88 = tpu.memref_slice %arg7[%dma_start3A_77, %dma_start3A_86, %dma_start3A_87] : memref<2x2x80xi32, #tpu.memory_space<vmem>> -> memref<1x2x80xi32, #tpu.memory_space<vmem>>
        %dma_start3A_89 = tpu.memref_squeeze %dma_start3A_88 : memref<1x2x80xi32, #tpu.memory_space<vmem>> -> memref<2x80xi32, #tpu.memory_space<vmem>>
        %dma_start3A_90 = arith.constant 0 : i32
        %dma_start3A_91 = arith.constant 0 : i32
        %dma_start3A_92 = tpu.memref_slice %arg3[%add3A, %add3A_76, %dma_start3A_90, %dma_start3A_91] : memref<32x126x2x80xi32, #tpu.memory_space<hbm>> -> memref<1x1x2x80xi32, #tpu.memory_space<hbm>>
        %dma_start3A_93 = tpu.memref_squeeze %dma_start3A_92 : memref<1x1x2x80xi32, #tpu.memory_space<hbm>> -> memref<2x80xi32, #tpu.memory_space<hbm>>
        tpu.enqueue_dma source(%dma_start3A_93 : memref<2x80xi32, #tpu.memory_space<hbm>>) target(%dma_start3A_89 : memref<2x80xi32, #tpu.memory_space<vmem>>) target_semaphore(%arg12 : memref<!tpu.dma_semaphore, #tpu.memory_space<semaphore_mem>>)
      } else {
      }
      %sub3A_53 = arith.constant 1 : i32
      %sub3A_54 = arith.subi %select_n3A, %sub3A_53 : i32
      %lt3A_55 = arith.cmpi slt, %while3A_31, %sub3A_54 : i32
      %convert_element_type3A_56 = arith.extui %lt3A_55 : i1 to i32
      %cond3A_57 = arith.constant 0 : i32
      %cond3A_58 = arith.cmpi ne, %convert_element_type3A_56, %cond3A_57 : i32
      scf.if %cond3A_58 {
        %add3A_75 = arith.constant 2 : i32
        %add3A_76 = arith.addi %mul3A_33, %add3A_75 : i32
        %dma_wait3A_77 = arith.constant 0 : i32
        %dma_wait3A_78 = arith.constant 0 : i32
        %dma_wait3A_79 = arith.constant 0 : i32
        %dma_wait3A_80 = tpu.memref_slice %arg7[%dma_wait3A_77, %dma_wait3A_78, %dma_wait3A_79] : memref<2x2x80xi32, #tpu.memory_space<vmem>> -> memref<1x2x80xi32, #tpu.memory_space<vmem>>
        %dma_wait3A_81 = tpu.memref_squeeze %dma_wait3A_80 : memref<1x2x80xi32, #tpu.memory_space<vmem>> -> memref<2x80xi32, #tpu.memory_space<vmem>>
        %dma_wait3A_82 = arith.constant 0 : i32
        %dma_wait3A_83 = arith.constant 0 : i32
        %dma_wait3A_84 = tpu.memref_slice %arg3[%add3A, %add3A_76, %dma_wait3A_82, %dma_wait3A_83] : memref<32x126x2x80xi32, #tpu.memory_space<hbm>> -> memref<1x1x2x80xi32, #tpu.memory_space<hbm>>
        %dma_wait3A_85 = tpu.memref_squeeze %dma_wait3A_84 : memref<1x1x2x80xi32, #tpu.memory_space<hbm>> -> memref<2x80xi32, #tpu.memory_space<hbm>>
        %dma_wait3A_86 = arith.constant 0 : i32
        %dma_wait3A_87 = arith.constant 0 : i32
        %dma_wait3A_88 = tpu.memref_slice %arg7[%dma_wait3A_77, %dma_wait3A_86, %dma_wait3A_87] : memref<2x2x80xi32, #tpu.memory_space<vmem>> -> memref<1x2x80xi32, #tpu.memory_space<vmem>>
        %dma_wait3A_89 = tpu.memref_squeeze %dma_wait3A_88 : memref<1x2x80xi32, #tpu.memory_space<vmem>> -> memref<2x80xi32, #tpu.memory_space<vmem>>
        %dma_wait3A_90 = arith.constant 0 : i32
        %dma_wait3A_91 = arith.constant 0 : i32
        %dma_wait3A_92 = tpu.memref_slice %arg3[%add3A, %add3A_76, %dma_wait3A_90, %dma_wait3A_91] : memref<32x126x2x80xi32, #tpu.memory_space<hbm>> -> memref<1x1x2x80xi32, #tpu.memory_space<hbm>>
        %dma_wait3A_93 = tpu.memref_squeeze %dma_wait3A_92 : memref<1x1x2x80xi32, #tpu.memory_space<hbm>> -> memref<2x80xi32, #tpu.memory_space<hbm>>
        tpu.wait_dma2 semaphore(%arg12 : memref<!tpu.dma_semaphore, #tpu.memory_space<semaphore_mem>>) src(%dma_wait3A_93 : memref<2x80xi32, #tpu.memory_space<hbm>>) dst(%dma_wait3A_89 : memref<2x80xi32, #tpu.memory_space<vmem>>)
        %dma_start3A_94 = arith.constant 0 : i32
        %dma_start3A_95 = arith.constant 0 : i32
        %dma_start3A_96 = arith.constant 0 : i32
        %dma_start3A_97 = tpu.memref_slice %arg7[%dma_start3A_94, %dma_start3A_95, %dma_start3A_96] : memref<2x2x80xi32, #tpu.memory_space<vmem>> -> memref<1x1x80xi32, #tpu.memory_space<vmem>>
        %dma_start3A_98 = tpu.memref_squeeze %dma_start3A_97 : memref<1x1x80xi32, #tpu.memory_space<vmem>> -> memref<80xi32, #tpu.memory_space<vmem>>
        %dma_start3A_99 = arith.constant 0 : i32
        %dma_start3A_100 = arith.constant 0 : i32
        %dma_start3A_101 = tpu.memref_slice %arg2[%dma_start3A_99, %dma_start3A_100] : memref<10000x128xf32, #tpu.memory_space<hbm>> -> memref<10000x128xf32, #tpu.memory_space<hbm>>
        tpu.enqueue_indirect_dma source(%dma_start3A_101 : memref<10000x128xf32, #tpu.memory_space<hbm>>) target(%arg8 : memref<80x128xf32, #tpu.memory_space<vmem>>) offsets(%dma_start3A_98 : memref<80xi32, #tpu.memory_space<vmem>>) semaphore(%arg10 : memref<!tpu.dma_semaphore, #tpu.memory_space<semaphore_mem>>)
      } else {
      }
      %dma_wait3A_59 = arith.constant 1 : i32
      %dma_wait3A_60 = arith.constant 0 : i32
      %dma_wait3A_61 = arith.constant 0 : i32
      %dma_wait3A_62 = tpu.memref_slice %arg7[%dma_wait3A_59, %dma_wait3A_60, %dma_wait3A_61] : memref<2x2x80xi32, #tpu.memory_space<vmem>> -> memref<1x1x80xi32, #tpu.memory_space<vmem>>
      %dma_wait3A_63 = tpu.memref_squeeze %dma_wait3A_62 : memref<1x1x80xi32, #tpu.memory_space<vmem>> -> memref<80xi32, #tpu.memory_space<vmem>>
      %dma_wait3A_64 = arith.constant 0 : i32
      %dma_wait3A_65 = arith.constant 0 : i32
      %dma_wait3A_66 = tpu.memref_slice %arg2[%dma_wait3A_64, %dma_wait3A_65] : memref<10000x128xf32, #tpu.memory_space<hbm>> -> memref<10000x128xf32, #tpu.memory_space<hbm>>
      tpu.wait_indirect_dma semaphore(%arg11 : memref<!tpu.dma_semaphore, #tpu.memory_space<semaphore_mem>>) src(%dma_wait3A_66 : memref<10000x128xf32, #tpu.memory_space<hbm>>) dst(%arg9 : memref<80x128xf32, #tpu.memory_space<vmem>>)
      %run_scoped3A_67 = arith.constant 1 : i32
      %run_scoped3A_68 = arith.constant 1 : i32
      "tpu.region"() ({
        %run_scoped3A_75 = tpu.sem_alloc : memref<!tpu.dma_semaphore, #tpu.memory_space<semaphore_mem>>
        %dma_start3A_76 = arith.constant 0 : i32
        %dma_start3A_77 = tpu.memref_slice %arg7[%run_scoped3A_67, %run_scoped3A_68, %dma_start3A_76] : memref<2x2x80xi32, #tpu.memory_space<vmem>> -> memref<1x1x80xi32, #tpu.memory_space<vmem>>
        %dma_start3A_78 = tpu.memref_squeeze %dma_start3A_77 : memref<1x1x80xi32, #tpu.memory_space<vmem>> -> memref<80xi32, #tpu.memory_space<vmem>>
        %dma_start3A_79 = arith.constant 0 : i32
        %dma_start3A_80 = arith.constant 0 : i32
        %dma_start3A_81 = tpu.memref_slice %arg6[%dma_start3A_79, %dma_start3A_80] : memref<10112x128xf32, #tpu.memory_space<vmem_shared>> -> memref<10112x128xf32, #tpu.memory_space<vmem_shared>>
        tpu.enqueue_indirect_dma source(%arg9 : memref<80x128xf32, #tpu.memory_space<vmem>>) target(%dma_start3A_81 : memref<10112x128xf32, #tpu.memory_space<vmem_shared>>) offsets(%dma_start3A_78 : memref<80xi32, #tpu.memory_space<vmem>>) semaphore(%run_scoped3A_75 : memref<!tpu.dma_semaphore, #tpu.memory_space<semaphore_mem>>) {add = true}
        %dma_wait3A_82 = arith.constant 0 : i32
        %dma_wait3A_83 = tpu.memref_slice %arg7[%run_scoped3A_67, %run_scoped3A_68, %dma_wait3A_82] : memref<2x2x80xi32, #tpu.memory_space<vmem>> -> memref<1x1x80xi32, #tpu.memory_space<vmem>>
        %dma_wait3A_84 = tpu.memref_squeeze %dma_wait3A_83 : memref<1x1x80xi32, #tpu.memory_space<vmem>> -> memref<80xi32, #tpu.memory_space<vmem>>
        %dma_wait3A_85 = arith.constant 0 : i32
        %dma_wait3A_86 = arith.constant 0 : i32
        %dma_wait3A_87 = tpu.memref_slice %arg6[%dma_wait3A_85, %dma_wait3A_86] : memref<10112x128xf32, #tpu.memory_space<vmem_shared>> -> memref<10112x128xf32, #tpu.memory_space<vmem_shared>>
        tpu.wait_indirect_dma semaphore(%run_scoped3A_75 : memref<!tpu.dma_semaphore, #tpu.memory_space<semaphore_mem>>) src(%arg9 : memref<80x128xf32, #tpu.memory_space<vmem>>) dst(%dma_wait3A_87 : memref<10112x128xf32, #tpu.memory_space<vmem_shared>>)
        tpu.yield
      }) : () -> ()
      %sub3A_69 = arith.constant 1 : i32
      %sub3A_70 = arith.subi %select_n3A, %sub3A_69 : i32
      %lt3A_71 = arith.cmpi slt, %while3A_31, %sub3A_70 : i32
      %convert_element_type3A_72 = arith.extui %lt3A_71 : i1 to i32
      %cond3A_73 = arith.constant 0 : i32
      %cond3A_74 = arith.cmpi ne, %convert_element_type3A_72, %cond3A_73 : i32
      scf.if %cond3A_74 {
        %add3A_75 = arith.constant 3 : i32
        %add3A_76 = arith.addi %mul3A_33, %add3A_75 : i32
        %dma_start3A_77 = arith.constant 1 : i32
        %dma_start3A_78 = arith.constant 0 : i32
        %dma_start3A_79 = arith.constant 0 : i32
        %dma_start3A_80 = tpu.memref_slice %arg7[%dma_start3A_77, %dma_start3A_78, %dma_start3A_79] : memref<2x2x80xi32, #tpu.memory_space<vmem>> -> memref<1x2x80xi32, #tpu.memory_space<vmem>>
        %dma_start3A_81 = tpu.memref_squeeze %dma_start3A_80 : memref<1x2x80xi32, #tpu.memory_space<vmem>> -> memref<2x80xi32, #tpu.memory_space<vmem>>
        %dma_start3A_82 = arith.constant 0 : i32
        %dma_start3A_83 = arith.constant 0 : i32
        %dma_start3A_84 = tpu.memref_slice %arg3[%add3A, %add3A_76, %dma_start3A_82, %dma_start3A_83] : memref<32x126x2x80xi32, #tpu.memory_space<hbm>> -> memref<1x1x2x80xi32, #tpu.memory_space<hbm>>
        %dma_start3A_85 = tpu.memref_squeeze %dma_start3A_84 : memref<1x1x2x80xi32, #tpu.memory_space<hbm>> -> memref<2x80xi32, #tpu.memory_space<hbm>>
        %dma_start3A_86 = arith.constant 0 : i32
        %dma_start3A_87 = arith.constant 0 : i32
        %dma_start3A_88 = tpu.memref_slice %arg7[%dma_start3A_77, %dma_start3A_86, %dma_start3A_87] : memref<2x2x80xi32, #tpu.memory_space<vmem>> -> memref<1x2x80xi32, #tpu.memory_space<vmem>>
        %dma_start3A_89 = tpu.memref_squeeze %dma_start3A_88 : memref<1x2x80xi32, #tpu.memory_space<vmem>> -> memref<2x80xi32, #tpu.memory_space<vmem>>
        %dma_start3A_90 = arith.constant 0 : i32
        %dma_start3A_91 = arith.constant 0 : i32
        %dma_start3A_92 = tpu.memref_slice %arg3[%add3A, %add3A_76, %dma_start3A_90, %dma_start3A_91] : memref<32x126x2x80xi32, #tpu.memory_space<hbm>> -> memref<1x1x2x80xi32, #tpu.memory_space<hbm>>
        %dma_start3A_93 = tpu.memref_squeeze %dma_start3A_92 : memref<1x1x2x80xi32, #tpu.memory_space<hbm>> -> memref<2x80xi32, #tpu.memory_space<hbm>>
        tpu.enqueue_dma source(%dma_start3A_93 : memref<2x80xi32, #tpu.memory_space<hbm>>) target(%dma_start3A_89 : memref<2x80xi32, #tpu.memory_space<vmem>>) target_semaphore(%arg13 : memref<!tpu.dma_semaphore, #tpu.memory_space<semaphore_mem>>)
        %add3A_94 = arith.constant 3 : i32
        %add3A_95 = arith.addi %mul3A_33, %add3A_94 : i32
        %dma_wait3A_96 = arith.constant 1 : i32
        %dma_wait3A_97 = arith.constant 0 : i32
        %dma_wait3A_98 = arith.constant 0 : i32
        %dma_wait3A_99 = tpu.memref_slice %arg7[%dma_wait3A_96, %dma_wait3A_97, %dma_wait3A_98] : memref<2x2x80xi32, #tpu.memory_space<vmem>> -> memref<1x2x80xi32, #tpu.memory_space<vmem>>
        %dma_wait3A_100 = tpu.memref_squeeze %dma_wait3A_99 : memref<1x2x80xi32, #tpu.memory_space<vmem>> -> memref<2x80xi32, #tpu.memory_space<vmem>>
        %dma_wait3A_101 = arith.constant 0 : i32
        %dma_wait3A_102 = arith.constant 0 : i32
        %dma_wait3A_103 = tpu.memref_slice %arg3[%add3A, %add3A_95, %dma_wait3A_101, %dma_wait3A_102] : memref<32x126x2x80xi32, #tpu.memory_space<hbm>> -> memref<1x1x2x80xi32, #tpu.memory_space<hbm>>
        %dma_wait3A_104 = tpu.memref_squeeze %dma_wait3A_103 : memref<1x1x2x80xi32, #tpu.memory_space<hbm>> -> memref<2x80xi32, #tpu.memory_space<hbm>>
        %dma_wait3A_105 = arith.constant 0 : i32
        %dma_wait3A_106 = arith.constant 0 : i32
        %dma_wait3A_107 = tpu.memref_slice %arg7[%dma_wait3A_96, %dma_wait3A_105, %dma_wait3A_106] : memref<2x2x80xi32, #tpu.memory_space<vmem>> -> memref<1x2x80xi32, #tpu.memory_space<vmem>>
        %dma_wait3A_108 = tpu.memref_squeeze %dma_wait3A_107 : memref<1x2x80xi32, #tpu.memory_space<vmem>> -> memref<2x80xi32, #tpu.memory_space<vmem>>
        %dma_wait3A_109 = arith.constant 0 : i32
        %dma_wait3A_110 = arith.constant 0 : i32
        %dma_wait3A_111 = tpu.memref_slice %arg3[%add3A, %add3A_95, %dma_wait3A_109, %dma_wait3A_110] : memref<32x126x2x80xi32, #tpu.memory_space<hbm>> -> memref<1x1x2x80xi32, #tpu.memory_space<hbm>>
        %dma_wait3A_112 = tpu.memref_squeeze %dma_wait3A_111 : memref<1x1x2x80xi32, #tpu.memory_space<hbm>> -> memref<2x80xi32, #tpu.memory_space<hbm>>
        tpu.wait_dma2 semaphore(%arg13 : memref<!tpu.dma_semaphore, #tpu.memory_space<semaphore_mem>>) src(%dma_wait3A_112 : memref<2x80xi32, #tpu.memory_space<hbm>>) dst(%dma_wait3A_108 : memref<2x80xi32, #tpu.memory_space<vmem>>)
      } else {
      }
    }
    %barrier3A_26 = arith.constant 0 : index
    tpu.barrier barrier_id(%barrier3A_26)
    %mul3A_27 = arith.constant 632 : i32
    %mul3A_28 = arith.muli %arg1, %mul3A_27 : i32
    %mul3A_29 = arith.constant 632 : i32
    %mul3A_30 = arith.muli %arg1, %mul3A_29 : i32
    "tpu.region"() ({
      %run_scoped3A_31 = tpu.sem_alloc : memref<!tpu.dma_semaphore, #tpu.memory_space<semaphore_mem>>
      %dma_start3A_32 = arith.constant 0 : i32
      %dma_start3A_33 = tpu.memref_slice %arg5[%arg0, %mul3A_30, %dma_start3A_32] : memref<2x10112x128xf32, #tpu.memory_space<hbm>> -> memref<1x632x128xf32, #tpu.memory_space<hbm>>
      %dma_start3A_34 = tpu.memref_squeeze %dma_start3A_33 : memref<1x632x128xf32, #tpu.memory_space<hbm>> -> memref<632x128xf32, #tpu.memory_space<hbm>>
      %dma_start3A_35 = arith.constant 0 : i32
      %dma_start3A_36 = tpu.memref_slice %arg6[%mul3A_28, %dma_start3A_35] : memref<10112x128xf32, #tpu.memory_space<vmem_shared>> -> memref<632x128xf32, #tpu.memory_space<vmem_shared>>
      tpu.enqueue_dma source(%dma_start3A_36 : memref<632x128xf32, #tpu.memory_space<vmem_shared>>) target(%dma_start3A_34 : memref<632x128xf32, #tpu.memory_space<hbm>>) target_semaphore(%run_scoped3A_31 : memref<!tpu.dma_semaphore, #tpu.memory_space<semaphore_mem>>)
      %dma_wait3A = arith.constant 0 : i32
      %dma_wait3A_37 = tpu.memref_slice %arg5[%arg0, %mul3A_30, %dma_wait3A] : memref<2x10112x128xf32, #tpu.memory_space<hbm>> -> memref<1x632x128xf32, #tpu.memory_space<hbm>>
      %dma_wait3A_38 = tpu.memref_squeeze %dma_wait3A_37 : memref<1x632x128xf32, #tpu.memory_space<hbm>> -> memref<632x128xf32, #tpu.memory_space<hbm>>
      %dma_wait3A_39 = arith.constant 0 : i32
      %dma_wait3A_40 = tpu.memref_slice %arg6[%mul3A_28, %dma_wait3A_39] : memref<10112x128xf32, #tpu.memory_space<vmem_shared>> -> memref<632x128xf32, #tpu.memory_space<vmem_shared>>
      tpu.wait_dma2 semaphore(%run_scoped3A_31 : memref<!tpu.dma_semaphore, #tpu.memory_space<semaphore_mem>>) src(%dma_wait3A_40 : memref<632x128xf32, #tpu.memory_space<vmem_shared>>) dst(%dma_wait3A_38 : memref<632x128xf32, #tpu.memory_space<hbm>>)
      tpu.yield
    }) : () -> ()
    return
  }
}

module attributes {stable_mosaic.version = 14 : i64} {
  func.func @body(%arg0: i32, %arg1: memref<1x12800xi32, #tpu.memory_space<vmem>>, %arg2: memref<128x79xf32, #tpu.memory_space<vmem>>) attributes {dimension_semantics = [#tpu.dimension_semantics<arbitrary>], iteration_bounds = array<i64: 25>, scalar_prefetch = 0 : i64, scratch_operands = 0 : i64, tpu.core_type = #tpu.core_type<tc>, window_params = [{transform_indices = @transform_0, window_bounds = array<i64: 1, 12800>}, {pipeline_mode = #tpu.pipeline_mode<synchronous>, transform_indices = @transform_1, window_bounds = array<i64: 128, 79>}]} {
    %eq3A = arith.constant 0 : i32
    %eq3A_0 = arith.cmpi eq, %arg0, %eq3A : i32
    %convert_element_type3A = arith.extui %eq3A_0 : i1 to i32
    %cond3A = arith.constant 0 : i32
    %cond3A_1 = arith.cmpi ne, %convert_element_type3A, %cond3A : i32
    scf.if %cond3A_1 {
      %broadcast_in_dim3A = arith.constant 0.000000e+00 : f32
      %broadcast_in_dim3A_70 = vector.broadcast %broadcast_in_dim3A : f32 to vector<128x79xf32>
      %swap3A_71 = arith.constant 0 : index
      %swap3A_72 = arith.constant 0 : index
      %swap3A_73 = vector.load %arg2[%swap3A_71, %swap3A_72] : memref<128x79xf32, #tpu.memory_space<vmem>>, vector<128x79xf32>
      tpu.vector_store %arg2[%swap3A_71, %swap3A_72], %broadcast_in_dim3A_70 {strides = array<i32>} : memref<128x79xf32, #tpu.memory_space<vmem>>, vector<128x79xf32>,
    } else {
    }
    %get3A = arith.constant 0 : index
    %get3A_2 = arith.constant 0 : index
    %get3A_3 = vector.load %arg1[%get3A, %get3A_2] : memref<1x12800xi32, #tpu.memory_space<vmem>>, vector<1x12800xi32>
    %iota3A = tpu.iota {dimensions = array<i32: 0>} : vector<79x1xi32>
    %jit3A = arith.constant 128 : i32
    %div3A = vector.broadcast %jit3A : i32 to vector<1x12800xi32>
    %div3A_4 = arith.divsi %get3A_3, %div3A : vector<1x12800xi32>
    %sign3A = arith.constant 0 : i32
    %sign3A_5 = vector.broadcast %sign3A : i32 to vector<1x12800xi32>
    %sign3A_6 = arith.cmpi sgt, %get3A_3, %sign3A_5 : vector<1x12800xi32>
    %sign3A_7 = arith.extui %sign3A_6 : vector<1x12800xi1> to vector<1x12800xi32>
    %sign3A_8 = arith.constant 0 : i32
    %sign3A_9 = vector.broadcast %sign3A_8 : i32 to vector<1x12800xi32>
    %sign3A_10 = arith.cmpi slt, %get3A_3, %sign3A_9 : vector<1x12800xi32>
    %sign3A_11 = arith.extui %sign3A_10 : vector<1x12800xi1> to vector<1x12800xi32>
    %sign3A_12 = arith.subi %sign3A_7, %sign3A_11 : vector<1x12800xi32>
    %sign3A_13 = arith.constant 0 : i32
    %sign3A_14 = arith.cmpi sgt, %jit3A, %sign3A_13 : i32
    %sign3A_15 = arith.extui %sign3A_14 : i1 to i32
    %sign3A_16 = arith.constant 0 : i32
    %sign3A_17 = arith.cmpi slt, %jit3A, %sign3A_16 : i32
    %sign3A_18 = arith.extui %sign3A_17 : i1 to i32
    %sign3A_19 = arith.subi %sign3A_15, %sign3A_18 : i32
    %ne3A = vector.broadcast %sign3A_19 : i32 to vector<1x12800xi32>
    %ne3A_20 = arith.cmpi ne, %sign3A_12, %ne3A : vector<1x12800xi32>
    %rem3A = vector.broadcast %jit3A : i32 to vector<1x12800xi32>
    %rem3A_21 = arith.remsi %get3A_3, %rem3A : vector<1x12800xi32>
    %ne3A_22 = arith.constant 0 : i32
    %ne3A_23 = vector.broadcast %ne3A_22 : i32 to vector<1x12800xi32>
    %ne3A_24 = arith.cmpi ne, %rem3A_21, %ne3A_23 : vector<1x12800xi32>
    %and3A = arith.andi %ne3A_20, %ne3A_24 : vector<1x12800xi1>
    %sub3A = arith.constant 1 : i32
    %sub3A_25 = vector.broadcast %sub3A : i32 to vector<1x12800xi32>
    %sub3A_26 = arith.subi %div3A_4, %sub3A_25 : vector<1x12800xi32>
    %select_n3A = arith.select %and3A, %sub3A_26, %div3A_4 : vector<1x12800xi1>, vector<1x12800xi32>
    %eq3A_27 = vector.broadcast %iota3A : vector<79x1xi32> to vector<79x12800xi32>
    %eq3A_28 = vector.broadcast %select_n3A : vector<1x12800xi32> to vector<79x12800xi32>
    %eq3A_29 = arith.cmpi eq, %eq3A_27, %eq3A_28 : vector<79x12800xi32>
    %convert_element_type3A_30 = arith.extui %eq3A_29 : vector<79x12800xi1> to vector<79x12800xi32>
    %convert_element_type3A_31 = arith.sitofp %convert_element_type3A_30 : vector<79x12800xi32> to vector<79x12800xf32>
    %iota3A_32 = tpu.iota {dimensions = array<i32: 0>} : vector<128x1xi32>
    %jit3A_33 = arith.constant 128 : i32
    %eq3A_34 = arith.constant 0 : i32
    %eq3A_35 = arith.cmpi eq, %jit3A_33, %eq3A_34 : i32
    %jit3A_36 = arith.constant 1 : i32
    %select_n3A_37 = arith.select %eq3A_35, %jit3A_36, %jit3A_33 : i32
    %rem3A_38 = vector.broadcast %select_n3A_37 : i32 to vector<1x12800xi32>
    %rem3A_39 = arith.remsi %get3A_3, %rem3A_38 : vector<1x12800xi32>
    %ne3A_40 = arith.constant 0 : i32
    %ne3A_41 = vector.broadcast %ne3A_40 : i32 to vector<1x12800xi32>
    %ne3A_42 = arith.cmpi ne, %rem3A_39, %ne3A_41 : vector<1x12800xi32>
    %lt3A = arith.constant 0 : i32
    %lt3A_43 = vector.broadcast %lt3A : i32 to vector<1x12800xi32>
    %lt3A_44 = arith.cmpi slt, %rem3A_39, %lt3A_43 : vector<1x12800xi32>
    %lt3A_45 = arith.constant 0 : i32
    %lt3A_46 = arith.cmpi slt, %select_n3A_37, %lt3A_45 : i32
    %ne3A_47 = vector.broadcast %lt3A_46 : i1 to vector<1x12800xi1>
    %ne3A_48 = vector.broadcast %ne3A_47 : vector<1x12800xi1> to vector<1x12800xi1>
    %ne3A_49 = arith.xori %lt3A_44, %ne3A_48 : vector<1x12800xi1>
    %and3A_50 = arith.andi %ne3A_49, %ne3A_42 : vector<1x12800xi1>
    %add3A = vector.broadcast %select_n3A_37 : i32 to vector<1x12800xi32>
    %add3A_51 = arith.addi %rem3A_39, %add3A : vector<1x12800xi32>
    %select_n3A_52 = arith.select %and3A_50, %add3A_51, %rem3A_39 : vector<1x12800xi1>, vector<1x12800xi32>
    %eq3A_53 = vector.broadcast %iota3A_32 : vector<128x1xi32> to vector<128x12800xi32>
    %eq3A_54 = vector.broadcast %select_n3A_52 : vector<1x12800xi32> to vector<128x12800xi32>
    %eq3A_55 = arith.cmpi eq, %eq3A_53, %eq3A_54 : vector<128x12800xi32>
    %convert_element_type3A_56 = arith.extui %eq3A_55 : vector<128x12800xi1> to vector<128x12800xi32>
    %convert_element_type3A_57 = arith.sitofp %convert_element_type3A_56 : vector<128x12800xi32> to vector<128x12800xf32>
    %get3A_58 = arith.constant 0 : index
    %get3A_59 = arith.constant 0 : index
    %get3A_60 = vector.load %arg2[%get3A_58, %get3A_59] : memref<128x79xf32, #tpu.memory_space<vmem>>, vector<128x79xf32>
    %dot_general3A = arith.constant dense<0.000000e+00> : vector<128x79xf32>
    %dot_general3A_61 = tpu.matmul %convert_element_type3A_57, %convert_element_type3A_31, %dot_general3A {dimension_numbers = #tpu.dot_dimension_numbers<[1], [1], [0], [0], [0, 0, 1, 0], [], []>, transpose_lhs_hint = false} : vector<128x12800xf32>, vector<79x12800xf32>, vector<128x79xf32> -> vector<128x79xf32>
    %add3A_62 = arith.addf %get3A_60, %dot_general3A_61 : vector<128x79xf32>
    %swap3A = arith.constant 0 : index
    %swap3A_63 = arith.constant 0 : index
    %swap3A_64 = vector.load %arg2[%swap3A, %swap3A_63] : memref<128x79xf32, #tpu.memory_space<vmem>>, vector<128x79xf32>
    tpu.vector_store %arg2[%swap3A, %swap3A_63], %add3A_62 {strides = array<i32>} : memref<128x79xf32, #tpu.memory_space<vmem>>, vector<128x79xf32>,
    %eq3A_65 = arith.constant 24 : i32
    %eq3A_66 = arith.cmpi eq, %arg0, %eq3A_65 : i32
    %convert_element_type3A_67 = arith.extui %eq3A_66 : i1 to i32
    %cond3A_68 = arith.constant 0 : i32
    %cond3A_69 = arith.cmpi ne, %convert_element_type3A_67, %cond3A_68 : i32
    scf.if %cond3A_69 {
      %get3A_70 = arith.constant 0 : index
      %get3A_71 = arith.constant 0 : index
      %get3A_72 = vector.load %arg2[%get3A_70, %get3A_71] : memref<128x79xf32, #tpu.memory_space<vmem>>, vector<128x79xf32>
      %add3A_73 = arith.constant 1.000000e+00 : f32
      %add3A_74 = vector.broadcast %add3A_73 : f32 to vector<128x79xf32>
      %add3A_75 = arith.addf %get3A_72, %add3A_74 : vector<128x79xf32>
      %rsqrt3A = math.rsqrt %add3A_75 : vector<128x79xf32>
      %swap3A_76 = arith.constant 0 : index
      %swap3A_77 = arith.constant 0 : index
      %swap3A_78 = vector.load %arg2[%swap3A_76, %swap3A_77] : memref<128x79xf32, #tpu.memory_space<vmem>>, vector<128x79xf32>
      tpu.vector_store %arg2[%swap3A_76, %swap3A_77], %rsqrt3A {strides = array<i32>} : memref<128x79xf32, #tpu.memory_space<vmem>>, vector<128x79xf32>,
    } else {
    }
    return
  }
  func.func @transform_0(%arg0: i32) -> (i32, i32) {
    %c0_i32 = arith.constant 0 : i32
    %c0_i32_0 = arith.constant 0 : i32
    return %c0_i32, %arg0 : i32, i32
  }
  func.func @transform_1(%arg0: i32) -> (i32, i32) {
    %c0_i32 = arith.constant 0 : i32
    %c0_i32_0 = arith.constant 0 : i32
    %c0_i32_1 = arith.constant 0 : i32
    return %c0_i32, %c0_i32_0 : i32, i32
  }
}

module attributes {stable_mosaic.version = 14 : i64} {
  func.func @body(%arg0: memref<10000x1xf32, #tpu.memory_space<vmem>>, %arg1: memref<10000x128xf32, #tpu.memory_space<vmem>>, %arg2: memref<128x128xf32, #tpu.memory_space<vmem>>, %arg3: memref<10000x128xf32, #tpu.memory_space<vmem>>) attributes {dimension_semantics = [], scalar_prefetch = 0 : i64, scratch_operands = 0 : i64, tpu.core_type = #tpu.core_type<tc>} {
    %get3A = arith.constant 0 : index
    %get3A_0 = arith.constant 0 : index
    %get3A_1 = vector.load %arg1[%get3A, %get3A_0] : memref<10000x128xf32, #tpu.memory_space<vmem>>, vector<10000x128xf32>
    %get3A_2 = arith.constant 0 : index
    %get3A_3 = arith.constant 0 : index
    %get3A_4 = vector.load %arg2[%get3A_2, %get3A_3] : memref<128x128xf32, #tpu.memory_space<vmem>>, vector<128x128xf32>
    %dot_general3A = arith.constant dense<0.000000e+00> : vector<10000x128xf32>
    %dot_general3A_5 = tpu.matmul %get3A_1, %get3A_4, %dot_general3A {dimension_numbers = #tpu.dot_dimension_numbers<[1], [0], [0], [1], [0, 0, 1, 1], [], []>, transpose_lhs_hint = false} : vector<10000x128xf32>, vector<128x128xf32>, vector<10000x128xf32> -> vector<10000x128xf32>
    %get3A_6 = arith.constant 0 : index
    %get3A_7 = arith.constant 0 : index
    %get3A_8 = vector.load %arg0[%get3A_6, %get3A_7] : memref<10000x1xf32, #tpu.memory_space<vmem>>, vector<10000x1xf32>
    %mul3A = vector.broadcast %get3A_8 : vector<10000x1xf32> to vector<10000x128xf32>
    %mul3A_9 = arith.mulf %mul3A, %dot_general3A_5 : vector<10000x128xf32>
    %swap3A = arith.constant 0 : index
    %swap3A_10 = arith.constant 0 : index
    %swap3A_11 = vector.load %arg3[%swap3A, %swap3A_10] : memref<10000x128xf32, #tpu.memory_space<vmem>>, vector<10000x128xf32>
    tpu.vector_store %arg3[%swap3A, %swap3A_10], %mul3A_9 {strides = array<i32>} : memref<10000x128xf32, #tpu.memory_space<vmem>>, vector<10000x128xf32>,
    return
  }
}

module attributes {stable_mosaic.version = 14 : i64} {
  func.func @body(%arg0: memref<2x10112x128xf32, #tpu.memory_space<vmem>>, %arg1: memref<10000x128xf32, #tpu.memory_space<vmem>>, %arg2: memref<10000x1xf32, #tpu.memory_space<vmem>>, %arg3: memref<128xf32, #tpu.memory_space<vmem>>, %arg4: memref<128x128xf32, #tpu.memory_space<vmem>>, %arg5: memref<10000x128xf32, #tpu.memory_space<vmem>>) attributes {dimension_semantics = [], scalar_prefetch = 0 : i64, scratch_operands = 0 : i64, tpu.core_type = #tpu.core_type<tc>} {
    %get3A = arith.constant 0 : index
    %get3A_0 = arith.constant 0 : index
    %get3A_1 = arith.constant 0 : index
    %get3A_2 = vector.load %arg0[%get3A, %get3A_0, %get3A_1] : memref<2x10112x128xf32, #tpu.memory_space<vmem>>, vector<1x10112x128xf32>
    %get3A_3 = vector.shape_cast %get3A_2 : vector<1x10112x128xf32> to vector<10112x128xf32>
    %slice3A = vector.extract_strided_slice %get3A_3 {offsets = [0, 0], sizes = [10000, 128], strides = [1, 1]} : vector<10112x128xf32> to vector<10000x128xf32>
    %get3A_4 = arith.constant 1 : index
    %get3A_5 = arith.constant 0 : index
    %get3A_6 = arith.constant 0 : index
    %get3A_7 = vector.load %arg0[%get3A_4, %get3A_5, %get3A_6] : memref<2x10112x128xf32, #tpu.memory_space<vmem>>, vector<1x10112x128xf32>
    %get3A_8 = vector.shape_cast %get3A_7 : vector<1x10112x128xf32> to vector<10112x128xf32>
    %slice3A_9 = vector.extract_strided_slice %get3A_8 {offsets = [0, 0], sizes = [10000, 128], strides = [1, 1]} : vector<10112x128xf32> to vector<10000x128xf32>
    %add3A = arith.addf %slice3A, %slice3A_9 : vector<10000x128xf32>
    %get3A_10 = arith.constant 0 : index
    %get3A_11 = arith.constant 0 : index
    %get3A_12 = vector.load %arg1[%get3A_10, %get3A_11] : memref<10000x128xf32, #tpu.memory_space<vmem>>, vector<10000x128xf32>
    %add3A_13 = arith.addf %add3A, %get3A_12 : vector<10000x128xf32>
    %get3A_14 = arith.constant 0 : index
    %get3A_15 = arith.constant 0 : index
    %get3A_16 = vector.load %arg2[%get3A_14, %get3A_15] : memref<10000x1xf32, #tpu.memory_space<vmem>>, vector<10000x1xf32>
    %mul3A = vector.broadcast %get3A_16 : vector<10000x1xf32> to vector<10000x128xf32>
    %mul3A_17 = arith.mulf %mul3A, %add3A_13 : vector<10000x128xf32>
    %get3A_18 = arith.constant 0 : index
    %get3A_19 = vector.load %arg3[%get3A_18] : memref<128xf32, #tpu.memory_space<vmem>>, vector<128xf32>
    %broadcast_in_dim3A = vector.shape_cast %get3A_19 : vector<128xf32> to vector<1x128xf32>
    %add3A_20 = vector.broadcast %broadcast_in_dim3A : vector<1x128xf32> to vector<10000x128xf32>
    %add3A_21 = arith.addf %mul3A_17, %add3A_20 : vector<10000x128xf32>
    %max3A = arith.constant 0.000000e+00 : f32
    %max3A_22 = vector.broadcast %max3A : f32 to vector<10000x128xf32>
    %max3A_23 = arith.maximumf %add3A_21, %max3A_22 : vector<10000x128xf32>
    %get3A_24 = arith.constant 0 : index
    %get3A_25 = arith.constant 0 : index
    %get3A_26 = vector.load %arg4[%get3A_24, %get3A_25] : memref<128x128xf32, #tpu.memory_space<vmem>>, vector<128x128xf32>
    %dot_general3A = arith.constant dense<0.000000e+00> : vector<10000x128xf32>
    %dot_general3A_27 = tpu.matmul %max3A_23, %get3A_26, %dot_general3A {dimension_numbers = #tpu.dot_dimension_numbers<[1], [0], [0], [1], [0, 0, 1, 1], [], []>, transpose_lhs_hint = false} : vector<10000x128xf32>, vector<128x128xf32>, vector<10000x128xf32> -> vector<10000x128xf32>
    %get3A_28 = arith.constant 0 : index
    %get3A_29 = arith.constant 0 : index
    %get3A_30 = vector.load %arg2[%get3A_28, %get3A_29] : memref<10000x1xf32, #tpu.memory_space<vmem>>, vector<10000x1xf32>
    %mul3A_31 = vector.broadcast %get3A_30 : vector<10000x1xf32> to vector<10000x128xf32>
    %mul3A_32 = arith.mulf %mul3A_31, %dot_general3A_27 : vector<10000x128xf32>
    %swap3A = arith.constant 0 : index
    %swap3A_33 = arith.constant 0 : index
    %swap3A_34 = vector.load %arg5[%swap3A, %swap3A_33] : memref<10000x128xf32, #tpu.memory_space<vmem>>, vector<10000x128xf32>
    tpu.vector_store %arg5[%swap3A, %swap3A_33], %mul3A_32 {strides = array<i32>} : memref<10000x128xf32, #tpu.memory_space<vmem>>, vector<10000x128xf32>,
    return
  }
}

module attributes {stable_mosaic.version = 14 : i64} {
  func.func @body(%arg0: memref<2x10112x128xf32, #tpu.memory_space<vmem>>, %arg1: memref<10000x128xf32, #tpu.memory_space<vmem>>, %arg2: memref<10000x1xf32, #tpu.memory_space<vmem>>, %arg3: memref<128xf32, #tpu.memory_space<vmem>>, %arg4: memref<1x10000xi32, #tpu.memory_space<vmem>>, %arg5: memref<128x64xf32, #tpu.memory_space<vmem>>, %arg6: memref<64xf32, #tpu.memory_space<vmem>>, %arg7: memref<64x1xf32, #tpu.memory_space<vmem>>, %arg8: memref<1xf32, #tpu.memory_space<vmem>>, %arg9: memref<64x1xf32, #tpu.memory_space<vmem>>) attributes {dimension_semantics = [], scalar_prefetch = 0 : i64, scratch_operands = 0 : i64, tpu.core_type = #tpu.core_type<tc>} {
    %get3A = arith.constant 0 : index
    %get3A_0 = arith.constant 0 : index
    %get3A_1 = vector.load %arg2[%get3A, %get3A_0] : memref<10000x1xf32, #tpu.memory_space<vmem>>, vector<10000x1xf32>
    %get3A_2 = arith.constant 0 : index
    %get3A_3 = arith.constant 0 : index
    %get3A_4 = arith.constant 0 : index
    %get3A_5 = vector.load %arg0[%get3A_2, %get3A_3, %get3A_4] : memref<2x10112x128xf32, #tpu.memory_space<vmem>>, vector<1x10112x128xf32>
    %get3A_6 = vector.shape_cast %get3A_5 : vector<1x10112x128xf32> to vector<10112x128xf32>
    %slice3A = vector.extract_strided_slice %get3A_6 {offsets = [0, 0], sizes = [10000, 128], strides = [1, 1]} : vector<10112x128xf32> to vector<10000x128xf32>
    %get3A_7 = arith.constant 1 : index
    %get3A_8 = arith.constant 0 : index
    %get3A_9 = arith.constant 0 : index
    %get3A_10 = vector.load %arg0[%get3A_7, %get3A_8, %get3A_9] : memref<2x10112x128xf32, #tpu.memory_space<vmem>>, vector<1x10112x128xf32>
    %get3A_11 = vector.shape_cast %get3A_10 : vector<1x10112x128xf32> to vector<10112x128xf32>
    %slice3A_12 = vector.extract_strided_slice %get3A_11 {offsets = [0, 0], sizes = [10000, 128], strides = [1, 1]} : vector<10112x128xf32> to vector<10000x128xf32>
    %add3A = arith.addf %slice3A, %slice3A_12 : vector<10000x128xf32>
    %get3A_13 = arith.constant 0 : index
    %get3A_14 = arith.constant 0 : index
    %get3A_15 = vector.load %arg1[%get3A_13, %get3A_14] : memref<10000x128xf32, #tpu.memory_space<vmem>>, vector<10000x128xf32>
    %add3A_16 = arith.addf %add3A, %get3A_15 : vector<10000x128xf32>
    %mul3A = vector.broadcast %get3A_1 : vector<10000x1xf32> to vector<10000x128xf32>
    %mul3A_17 = arith.mulf %mul3A, %add3A_16 : vector<10000x128xf32>
    %get3A_18 = arith.constant 0 : index
    %get3A_19 = vector.load %arg3[%get3A_18] : memref<128xf32, #tpu.memory_space<vmem>>, vector<128xf32>
    %broadcast_in_dim3A = vector.shape_cast %get3A_19 : vector<128xf32> to vector<1x128xf32>
    %add3A_20 = vector.broadcast %broadcast_in_dim3A : vector<1x128xf32> to vector<10000x128xf32>
    %add3A_21 = arith.addf %mul3A_17, %add3A_20 : vector<10000x128xf32>
    %max3A = arith.constant 0.000000e+00 : f32
    %max3A_22 = vector.broadcast %max3A : f32 to vector<10000x128xf32>
    %max3A_23 = arith.maximumf %add3A_21, %max3A_22 : vector<10000x128xf32>
    %iota3A = tpu.iota {dimensions = array<i32: 0>} : vector<64x1xi32>
    %get3A_24 = arith.constant 0 : index
    %get3A_25 = arith.constant 0 : index
    %get3A_26 = vector.load %arg4[%get3A_24, %get3A_25] : memref<1x10000xi32, #tpu.memory_space<vmem>>, vector<1x10000xi32>
    %eq3A = vector.broadcast %iota3A : vector<64x1xi32> to vector<64x10000xi32>
    %eq3A_27 = vector.broadcast %get3A_26 : vector<1x10000xi32> to vector<64x10000xi32>
    %eq3A_28 = arith.cmpi eq, %eq3A, %eq3A_27 : vector<64x10000xi32>
    %convert_element_type3A = arith.extui %eq3A_28 : vector<64x10000xi1> to vector<64x10000xi32>
    %convert_element_type3A_29 = arith.sitofp %convert_element_type3A : vector<64x10000xi32> to vector<64x10000xf32>
    %reduce_sum3A = arith.constant dense<0.000000e+00> : vector<64xf32>
    %reduce_sum3A_30 = vector.multi_reduction <add>, %convert_element_type3A_29, %reduce_sum3A [1] : vector<64x10000xf32> to vector<64xf32>
    %broadcast_in_dim3A_31 = vector.shape_cast %reduce_sum3A_30 : vector<64xf32> to vector<64x1xf32>
    %dot_general3A = arith.constant dense<0.000000e+00> : vector<64x128xf32>
    %dot_general3A_32 = tpu.matmul %convert_element_type3A_29, %max3A_23, %dot_general3A {dimension_numbers = #tpu.dot_dimension_numbers<[1], [0], [0], [1], [0, 0, 1, 1], [], []>, precision = #tpu.contract_precision<fp32>, transpose_lhs_hint = false} : vector<64x10000xf32>, vector<10000x128xf32>, vector<64x128xf32> -> vector<64x128xf32>
    %max3A_33 = arith.constant 1.000000e+00 : f32
    %max3A_34 = vector.broadcast %max3A_33 : f32 to vector<64x1xf32>
    %max3A_35 = arith.maximumf %broadcast_in_dim3A_31, %max3A_34 : vector<64x1xf32>
    %div3A = vector.broadcast %max3A_35 : vector<64x1xf32> to vector<64x128xf32>
    %div3A_36 = arith.divf %dot_general3A_32, %div3A : vector<64x128xf32>
    %get3A_37 = arith.constant 0 : index
    %get3A_38 = arith.constant 0 : index
    %get3A_39 = vector.load %arg5[%get3A_37, %get3A_38] : memref<128x64xf32, #tpu.memory_space<vmem>>, vector<128x64xf32>
    %dot_general3A_40 = arith.constant dense<0.000000e+00> : vector<64x64xf32>
    %dot_general3A_41 = tpu.matmul %div3A_36, %get3A_39, %dot_general3A_40 {dimension_numbers = #tpu.dot_dimension_numbers<[1], [0], [0], [1], [0, 0, 1, 1], [], []>, transpose_lhs_hint = false} : vector<64x128xf32>, vector<128x64xf32>, vector<64x64xf32> -> vector<64x64xf32>
    %get3A_42 = arith.constant 0 : index
    %get3A_43 = vector.load %arg6[%get3A_42] : memref<64xf32, #tpu.memory_space<vmem>>, vector<64xf32>
    %broadcast_in_dim3A_44 = vector.shape_cast %get3A_43 : vector<64xf32> to vector<1x64xf32>
    %add3A_45 = vector.broadcast %broadcast_in_dim3A_44 : vector<1x64xf32> to vector<64x64xf32>
    %add3A_46 = arith.addf %dot_general3A_41, %add3A_45 : vector<64x64xf32>
    %max3A_47 = arith.constant 0.000000e+00 : f32
    %max3A_48 = vector.broadcast %max3A_47 : f32 to vector<64x64xf32>
    %max3A_49 = arith.maximumf %add3A_46, %max3A_48 : vector<64x64xf32>
    %get3A_50 = arith.constant 0 : index
    %get3A_51 = arith.constant 0 : index
    %get3A_52 = vector.load %arg7[%get3A_50, %get3A_51] : memref<64x1xf32, #tpu.memory_space<vmem>>, vector<64x1xf32>
    %dot_general3A_53 = arith.constant dense<0.000000e+00> : vector<64x1xf32>
    %dot_general3A_54 = tpu.matmul %max3A_49, %get3A_52, %dot_general3A_53 {dimension_numbers = #tpu.dot_dimension_numbers<[1], [0], [0], [1], [0, 0, 1, 1], [], []>, transpose_lhs_hint = false} : vector<64x64xf32>, vector<64x1xf32>, vector<64x1xf32> -> vector<64x1xf32>
    %get3A_55 = arith.constant 0 : index
    %get3A_56 = vector.load %arg8[%get3A_55] : memref<1xf32, #tpu.memory_space<vmem>>, vector<1xf32>
    %broadcast_in_dim3A_57 = vector.shape_cast %get3A_56 : vector<1xf32> to vector<1x1xf32>
    %add3A_58 = vector.broadcast %broadcast_in_dim3A_57 : vector<1x1xf32> to vector<64x1xf32>
    %add3A_59 = arith.addf %dot_general3A_54, %add3A_58 : vector<64x1xf32>
    %swap3A = arith.constant 0 : index
    %swap3A_60 = arith.constant 0 : index
    %swap3A_61 = vector.load %arg9[%swap3A, %swap3A_60] : memref<64x1xf32, #tpu.memory_space<vmem>>, vector<64x1xf32>
    tpu.vector_store %arg9[%swap3A, %swap3A_60], %add3A_59 {strides = array<i32>} : memref<64x1xf32, #tpu.memory_space<vmem>>, vector<64x1xf32>,
    return
  }
}

</mosaic_0001>

<sc_bundles>
// kernel: kernel.11.cloned.1.call-start
scs
__scs_entry_jumppad:
0x0: {  	(pc) =	sbr.rel $0x88, $3  }
0x1: {  	(tag) =	ssettag $0x0;
	lr =	simm.s32 $0x1  }
0x2: {  	[smem:$0x3F96] =	sst lr;
	_ =	strace $0xD0000000  }
0x3: {  	_ = 	snop  }
0x4: {  	_ = 	snop  }
0x5: {  	_ = 	snop  }
0x6: {  	_ = 	snop  }
0x7: {  	_ = 	snop  }
__scs_overlays_trampoline_lowered:
0x8: {  	[smem:$0x3FA5] =	sst s0  }
0x9: {  	[smem:$0x3FA6] =	sst s1  }
0xa: {  	[smem:$0x3FA7] =	sst s2  }
0xb: {  	[smem:$0x3FA8] =	sst s3  }
0xc: {  	[smem:$0x3FA9] =	sst s4  }
0xd: {  	[smem:$0x3FAA] =	sst s5  }
0xe: {  	[smem:$0x3FAB] =	sst s6  }
0xf: {  	[smem:$0x3FAC] =	sst s7  }
0x10: {  	[smem:$0x3FAD] =	sst s8  }
0x11: {  	[smem:$0x3FAE] =	sst s9;
	s0 =	simm.s32 @!p0 $0x0  }
0x12: {  	s1 =	sld [smem:$0x3F94];
	s0 =	simm.s32 @p0 $0x1  }
0x13: {  	[smem:$0x3FAF] =	sst s0;
	s0 =	simm.s32 @!p1 $0x0  }
0x14: {  	s2 =	sld [smem:$0x3F93];
	s0 =	simm.s32 @p1 $0x1  }
0x15: {  	[smem:$0x3FB0] =	sst s0;
	s0 =	simm.s32 @!p2 $0x0  }
0x16: {  	s3 =	sld [smem:$0x3FDB];
	s0 =	simm.s32 @p2 $0x1  }
0x17: {  	s4 =	simm.s32 $0x1BF5;
	[smem:$0x3FB2] =	sst s0  }
0x18: {  	s0 =	sld [smem:$0x3F95];
	_ =	swait.ge [sflag:s4], $0x0  }
0x19: {  	s7 =	sld [smem:$0x3F96]  }
0x1a: {  	s8 =	sadd.s32 $0xFFFFE003, lr  }
0x1b: {  	s9 =	sadd.s32 $0xFFFFFEF7, lr;
	s5 =	simm.s32 $0xFFFFFFFF;
	p2 =	slt.u32 s8, $0xFFFFF086  }
0x1c: {  	p1 =	slt.u32 s9, $0xF7A;
	s5 =	simm.s32 @!p2 $0x0  }
0x1d: {  	s5 =	simm.s32 @p1 $0x1;
	p0 =	seq.s32 s7, s2  }
0x1e: {  	s7 =	smul.u32 @!p0 $0xF7A, s2;
	p2 =	seq.s32 @!p0 s5, $0x0  }
0x1f: {  	s9 =	smul.u32 $0xF7A, s1;
	s8 =	simm.s32 @!p0 $0x1BF5;
	p2 =	por !p2, p0  }
0x20: {  	[sflag:s8] =	ssyncset.s32 @!p0 $0xFFFFF086;
	s6 =	sadd.s32 @!p0 s3, s7;
	s7 =	simm.s32 @!p0 $0x108  }
0x21: {  	s3 =	sadd.s32 s3, s9;
	s6 =	sadd.s32 @!p0 $0x88, s6;
	s7 =	simm.s32 @p2 $0x1082  }
0x22: {  	[simem:s7], [sflag:s8] =	dma.local @!p0 [hbm:s6], $0xF7A  }
0x23: {  	s9 =	sor.u32 $0xD0000000, s2;
	s6 =	simm.s32 $0x108;
	_ =	swait.ge @!p0 [sflag:s8], $0x0  }
0x24: {  	s3 =	sadd.s32 $0x88, s3;
	s6 =	simm.s32 @!p1 $0x1082;
	[sflag:s4] =	ssyncset.s32 $0xFFFFF086  }
0x25: {  	[simem:s6], [sflag:s4] =	dma.local [hbm:s3], $0xF7A  }
0x26: {  	[smem:$0x3F96] =	sst s1;
	(tag) =	ssettag s2;
	_ =	strace s9  }
0x27: {  	s1 =	sld [smem:$0x3FA6]  }
0x28: {  	s2 =	sld [smem:$0x3FA7]  }
0x29: {  	s4 =	sld [smem:$0x3FA9]  }
0x2a: {  	p0 =	seq.s32 s5, $0x0;
	s5 =	sld [smem:$0x3FAA]  }
0x2b: {  	s6 =	sld [smem:$0x3FAB]  }
0x2c: {  	s7 =	sld [smem:$0x3FAC]  }
0x2d: {  	s3 =	simm.s32 $0x108;
	s8 =	sld [smem:$0x3FAD]  }
0x2e: {  	s3 =	simm.s32 @!p0 $0x1082;
	s9 =	sld [smem:$0x3FAE]  }
0x2f: {  	lr =	sadd.s32 s0, s3;
	s0 =	sld [smem:$0x3FA5]  }
0x30: {  	s3 =	sld [smem:$0x3FA8]  }
0x31: {  	[smem:$0x3FB1] =	sst s10  }
0x32: {  	s10 =	sld [smem:$0x3FAF];
	_ =	sdelay $0x3  }
0x33: {  	p0 =	seq.s32 s10, $0x1;
	s10 =	sld [smem:$0x3FB1];
	_ =	sdelay $0x3  }
0x34: {  	[smem:$0x3FB1] =	sst s10  }
0x35: {  	s10 =	sld [smem:$0x3FB0];
	_ =	sdelay $0x3  }
0x36: {  	p1 =	seq.s32 s10, $0x1;
	s10 =	sld [smem:$0x3FB1];
	_ =	sdelay $0x3  }
0x37: {  	[smem:$0x3FB1] =	sst s10  }
0x38: {  	s10 =	sld [smem:$0x3FB2]  }
0x39: {  	_ = 	snop;
	(pc) =	sbr.ind lr, $3  }
0x3a: {  	_ = 	snop  }
0x3b: {  	_ = 	snop  }
0x3c: {  	p2 =	seq.s32 s10, $0x1;
	s10 =	sld [smem:$0x3FB1]  }
0x3d: {  	_ =	shalt  }
0x3e: {  	_ =	shalt  }
0x3f: {  	_ =	shalt  }
0x40: {  	_ =	shalt  }
0x41: {  	_ =	shalt  }
0x42: {  	_ =	shalt  }
0x43: {  	_ =	shalt  }
0x44: {  	_ =	shalt  }
0x45: {  	_ =	shalt  }
0x46: {  	_ =	shalt  }
0x47: {  	_ =	shalt  }
0x48: {  	_ =	shalt  }
0x49: {  	_ =	shalt  }
0x4a: {  	_ =	shalt  }
0x4b: {  	_ =	shalt  }
0x4c: {  	_ =	shalt  }
0x4d: {  	_ =	shalt  }
0x4e: {  	_ =	shalt  }
0x4f: {  	_ =	shalt  }
0x50: {  	_ =	shalt  }
0x51: {  	_ =	shalt  }
0x52: {  	_ =	shalt  }
0x53: {  	_ =	shalt  }
0x54: {  	_ =	shalt  }
0x55: {  	_ =	shalt  }
0x56: {  	_ =	shalt  }
0x57: {  	_ =	shalt  }
0x58: {  	_ =	shalt  }
0x59: {  	_ =	shalt  }
0x5a: {  	_ =	shalt  }
0x5b: {  	_ =	shalt  }
0x5c: {  	_ =	shalt  }
0x5d: {  	_ =	shalt  }
0x5e: {  	_ =	shalt  }
0x5f: {  	_ =	shalt  }
0x60: {  	_ =	shalt  }
0x61: {  	_ =	shalt  }
0x62: {  	_ =	shalt  }
0x63: {  	_ =	shalt  }
0x64: {  	_ =	shalt  }
0x65: {  	_ =	shalt  }
0x66: {  	_ =	shalt  }
0x67: {  	_ =	shalt  }
0x68: {  	_ =	shalt  }
0x69: {  	_ =	shalt  }
0x6a: {  	_ =	shalt  }
0x6b: {  	_ =	shalt  }
0x6c: {  	_ =	shalt  }
0x6d: {  	_ =	shalt  }
0x6e: {  	_ =	shalt  }
0x6f: {  	_ =	shalt  }
0x70: {  	_ =	shalt  }
0x71: {  	_ =	shalt  }
0x72: {  	_ =	shalt  }
0x73: {  	_ =	shalt  }
0x74: {  	_ =	shalt  }
0x75: {  	_ =	shalt  }
0x76: {  	_ =	shalt  }
0x77: {  	_ =	shalt  }
0x78: {  	_ =	shalt  }
0x79: {  	_ =	shalt  }
0x7a: {  	_ =	shalt  }
0x7b: {  	_ =	shalt  }
0x7c: {  	_ =	shalt  }
0x7d: {  	_ =	shalt  }
0x7e: {  	_ =	shalt  }
0x7f: {  	_ =	shalt  }
0x80: {  	_ =	shalt  }
0x81: {  	_ =	shalt  }
0x82: {  	_ =	shalt  }
0x83: {  	_ =	shalt  }
0x84: {  	_ =	shalt  }
0x85: {  	_ =	shalt  }
0x86: {  	_ =	shalt  }
0x87: {  	_ =	shalt  }
.Lfunc_end0:
.L_simem_size_0:
called_computation.1_lowered:
.L_overlay_start_0:
0x88: {  	s2 =	sld [smem:$0x3FD9]  }
0x89: {  	s3 =	sld [smem:$0x3FFE];
	_ =	sdelay $0x1  }
0x8a: {  	s1 =	srdreg.scid  }
0x8b: {  	s0 =	sand.u32 $0x1, s1  }
0x8c: {  	s16 =	sshll.u32 s0, $0xA;
	s2 =	sadd.s32 s3, s2  }
0x8d: {  	s2 =	sadd.s32 s2, s16  }
0x8e: {  	[smem:$0x3FBD] =	sst s2  }
0x8f: {  	_ = 	snop  }
0x90: {  	(tm) =	ssettm $0x1  }
0x91: {  	s17 =	sld [smem:$0x3FFB];
	_ =	sdelay $0x3  }
0x92: {  	_ =	strace s17  }
0x93: {  	s2 =	sld [smem:$0x3FFC];
	_ =	sdelay $0x3  }
0x94: {  	_ =	strace s2  }
0x95: {  	s2 =	sld [smem:$0x3FFD];
	_ =	sdelay $0x3  }
0x96: {  	_ =	strace s2  }
0x97: {  	_ =	strace $0x8FFFFFFF  }
0x98: {  	s18 =	sld [smem:$0x3FDB];
	_ =	sdelay $0x1  }
0x99: {  	s19 =	simm.s32 $_scs_section_size  }
0x9a: {  	s4 =	simm.s32 $_size__tile_overlayer_lowered;
	s5 =	simm.s32 $_tile_overlayer_lowered  }
0x9b: {  	s22 =	simm.s32 $0x1BFF;
	s21 =	sshll.u32 s5, $0x1;
	s2 =	sadd.s32 s19, s18  }
0x9c: {  	s6 =	simm.s32 $0x0;
	s20 =	sshll.u32 s4, $0x1;
	s4 =	sadd.s32 s21, s2  }
0x9d: {  	[timem:s6], [sflag:s22] =	dma.local [hbm:s4], s20  }
0x9e: {  	_ =	swait.ge [sflag:s22], s20  }
0x9f: {  	s3 =	ssub.s32 $0x0, s20;
	[sflag:s22] =	ssyncset.done $0x0  }
0xa0: {  	[sflag:s22] =	ssyncadd.s32 s3;
	_ =	sdelay $0x1  }
0xa1: {  	s23 =	simm.s32 $0x1B8B  }
0xa2: {  	_ =	swait.ge [sflag:s23], $0x1  }
0xa3: {  	[sflag:s23] =	ssyncset.done $0x0  }
0xa4: {  	s25 =	simm.s32 $0x1B8E;
	s24 =	sld [smem:$0x3FFE];
	[sflag:s23] =	ssyncadd.s32 $0xFFFFFFFF  }
0xa5: {  	s26 =	simm.s32 $execute0_lowered;
	[smem:$0x3FD2] =	sst s25  }
0xa6: {  	s4 =	sshll.u32 s26, $0x1;
	_ =	strace $0x80000049;
	[dreg:$0x1] =	wrdreg $0xFFFFFFFF  }
0xa7: {  	s28 =	simm.s32 $_size_execute0_lowered;
	s2 =	sadd.s32 s2, s4;
	[dreg:$0x0] =	wrdreg $0x0  }
0xa8: {  	s4 =	sshll.u32 s28, $0x1;
	[dreg:$0x2] =	wrdreg s2  }
0xa9: {  	[dreg:$0x3] =	wrdreg s4  }
0xaa: {  	[dreg:$0x4] =	wrdreg $0xC0  }
0xab: {  	_ =	task [dreg:s6], $0x5FFFF  }
0xac: {  	[dreg:$0x1] =	wrdreg $0xFFFFFFFF  }
0xad: {  	[dreg:$0x0] =	wrdreg $0x60  }
0xae: {  	[dreg:$0x2] =	wrdreg s24  }
0xaf: {  	[dreg:$0x3] =	wrdreg $0x0  }
0xb0: {  	[dreg:$0x4] =	wrdreg $0x9  }
0xb1: {  	_ =	task.clear_ibuf [dreg:s6], $0x5FFFF;
	_ =	strace $0x90000049  }
0xb2: {  	s29 =	simm.s32 $0x9;
	_ =	strace $0x8000004B  }
0xb3: {  	_ =	swait.ge [sflag:s29], $0x1  }
0xb4: {  	[sflag:s29] =	ssyncadd.s32 $0xFFFFFFFF  }
0xb5: {  	_ =	strace $0x9000004B  }
0xb6: {  	_ =	sfence  }
0xb7: {  	s30 =	sld [smem:$0x0];
	_ =	sdelay $0x2  }
0xb8: {  	s31 =	sshll.u32 s1, $0xD;
	s1 =	sshrl.u32 s1, $0x2  }
0xb9: {  	s3 =	sand.u32 $0x4000, s31;
	s1 =	sadd.s32 s1, s30  }
0xba: {  	s0 =	sor.u32 s3, s0;
	s1 =	sshll.u32 s1, $0x11  }
0xbb: {  	s0 =	sor.u32 s1, s0  }
0xbc: {  	s0 =	sadd.s32 $0x8F2B, s0  }
0xbd: {  	[sflag:s0] =	ssyncadd.remote.s32 $0x1  }
0xbe: {  	_ =	sfence.sel $0xFFFF  }
0xbf: {  	[dreg:$0x0] =	wrdreg $0xFFFFFFFF;
	(pc) =	sbr.abs _section_cstart, $3  }
0xc0: {  	[dreg:$0x1] =	wrdreg $0xFFFFFFFF  }
0xc1: {  	_ =	task.clear_ibuf [dreg:s6], $0x2FFFF;
	_ =	strace $0x9FFFFFFF  }
0xc2: {  	(tm) =	ssettm $0x7FFFFFFF  }
0xc3: {  	_ =	shalt  }
tec
execute0_lowered:
.L_overlay_start_1:
0x0: {  	(tag) =	ssettag $0x1  }
0x1: {  	s7 =	rddreg [dreg:$0x0]  }
0x2: {  	s2 =	rddreg [dreg:$0x1]  }
0x3: {  	s0 =	rddreg [dreg:$0x2];
	s3 =	simm.s32 $0x0;
	s1 =	stileid.u32  }
0x4: {  	s4 =	srdreg.scid;
	s18 =	simm.s32 $0x13D00;
	s19 =	simm.s32 $0x50  }
0x5: {  	s20 =	simm.s32 $0x13E00;
	s21 =	simm.s32 $0x1;
	s22 =	simm.s32 $0x16600  }
0x6: {  	s23 =	simm.s32 $0x13C80;
	s24 =	simm.s32 $0x0;
	s8 =	smul.u32 $0x13C00, s1  }
0x7: {  	[smem:$0x7FF] =	sst s3;
	s4 =	sand.u32 $0x1, s4;
	s12 =	smul.u32 $0x4F000, s1  }
0x8: {  	s5 =	sadd.s32 $0x21200, s7;
	s6 =	sadd.s32 $0x1A00, s7;
	s16 =	smul.u32 $0xFC00, s1  }
0x9: {  	s26 =	sshll.u32 s1, $0x1;
	s30 =	sshll.u32 s1, $0x6;
	s9 =	smul.u32 $0x13C000, s4  }
0xa: {  	_ =	strace $0x8000004A;
	s11 =	ssub.s32 $0x2, s4;
	s17 =	smul.u32 $0x7E00, s4  }
0xb: {  	s10 =	sshrl.u32 s8, $0x3;
	s13 =	sshrl.u32 s11, $0x1;
	s28 =	sshrl.u32 s12, $0x2  }
0xc: {  	s10 =	sadd.s32 s10, s7;
	s8 =	sadd.s32 s8, s9;
	s9 =	sor.u32 s4, s26  }
0xd: {  	s13 =	ssub.s32 s11, s13;
	s15 =	sadd.s32 s28, s2;
	s11 =	ssub.s32 $0x3E, s4  }
0xe: {  	s31 =	sadd.s32 s17, s16;
	s16 =	simm.s32 $0x5;
	s9 =	smul.u32 $0x7E00, s9  }
0xf: {  	s17 =	simm.s32 $0x13C00;
	s8 =	sshrl.u32 s8, $0x3;
	s13 =	smax.u32 s13, $0x1  }
0x10: {  	s15 =	sshrl.u32 s15, $0x3;
	s14 =	sadd.s32 s8, s7;
	s29 =	sshrl.u32 s9, $0x3  }
0x11: {  	s8 =	sadd.s32 $0x48400, s10;
	s9 =	sor.u32 $0x1C05, s30;
	s7 =	sadd.s32 s6, s29  }
0x12: {  	s12 =	sadd.s32 $0x6FC00, s14;
	s14 =	sadd.s32 $0x300, s31;
	s10 =	sadd.s32 $0x20, s7  }
.LBB2_1:
0x13: {  	[spmem:s15], [sflag:s9] =	dma.local [hbm:s8], $0x2780  }
0x14: {  	_ =	swait.ge [sflag:s16], $0x2780  }
0x15: {  	[sflag:s16] =	ssyncset.done $0x0  }
0x16: {  	[sflag:s16] =	ssyncadd.s32 $0xFFFFD880  }
0x17: {  	[bflag:$0x0] =	sbarrier.arrive $0xFFFF  }
0x18: {  	[tilespmem:s17], [sflag:$0x5] =	stream.linear.gather [hbm4b:s7+s3], $0x100, $0x38;
	[tilespmem:$0x18E00] =	vst v63  }
0x19: {  	_ =	swait.ge [sflag:s16], $0x100  }
0x1a: {  	[sflag:s16] =	ssyncset.done $0x0  }
0x1b: {  	[sflag:s16] =	ssyncadd.s32 $0xFFFFFF00  }
0x1c: {  	[tilespmem:s18], [sflag:$0x5] =	stream.linear.gather [hbm4b:s10+s3], $0x100, $0x38;
	[tilespmem:$0x18E00] =	vst v63  }
0x1d: {  	_ =	swait.ge [sflag:s16], $0x100  }
0x1e: {  	[sflag:s16] =	ssyncset.done $0x0  }
0x1f: {  	s25 =	simm.s32 $0x1;
	s26 =	smov.u32 s14;
	[sflag:s16] =	ssyncadd.s32 $0xFFFFFF00  }
0x20: {  	[tilespmem:s20], [sflag:$0x1] =	stream.indirect.gather [hbm4b:s5+s19], $0x80, s17, s19, $0xb8;
	[tilespmem:$0x18E00] =	vst v63  }
.LBB2_2:
0x21: {  	_ =	swait.ge [sflag:s21], $0x2800  }
0x22: {  	[sflag:s21] =	ssyncset.done $0x0  }
0x23: {  	[sflag:s21] =	ssyncadd.s32 $0xFFFFD800  }
0x24: {  	[tilespmem:s22], [sflag:$0x2] =	stream.indirect.gather [hbm4b:s5+s19], $0x80, s18, s19, $0xb8;
	[tilespmem:$0x18E00] =	vst v63  }
0x25: {  	_ = 	snop  }
0x26: {  	[spmem:s2] =	stream.indirect.scatter.add.f32 [tilespmem:s20], [sflag:$0x5], $0x80, s23, s19, $0xb8;
	[tilespmem:$0x18E00] =	vst v63  }
0x27: {  	s28 =	sadd.s32 $0xFFFFFFFF, s25;
	_ =	swait.ge [sflag:s16], $0x2800  }
0x28: {  	p0 =	sge.u32 s28, s11;
	[sflag:s16] =	ssyncset.done $0x0  }
0x29: {  	s28 =	simm.s32 @p0 $0x2;
	[sflag:s16] =	ssyncadd.s32 $0xFFFFD800  }
0x2a: {  	_ =	swait.ge @p0 [sflag:s28], $0x2800  }
0x2b: {  	s29 =	simm.s32 @p0 $0x13D80;
	[sflag:s28] =	ssyncset.done @p0 $0x0  }
0x2c: {  	s30 =	simm.s32 @p0 $0x16600;
	[sflag:s28] =	ssyncadd.s32 @p0 $0xFFFFD800;
	s28 =	simm.s32 @p0 $0x50  }
0x2d: {  	[spmem:s2] =	stream.indirect.scatter.add.f32 @p0 [tilespmem:s30], [sflag:$0x5], $0x80, s29, s28, $0xb8;
	[tilespmem:$0x18E00] =	vst v63  }
0x2e: {  	s28 =	simm.s32 @p0 $0x5  }
0x2f: {  	_ =	swait.ge @p0 [sflag:s28], $0x2800  }
0x30: {  	s29 =	sadd.s32 @!p0 $0xFFFFFF00, s26;
	[sflag:s28] =	ssyncset.done @p0 $0x0  }
0x31: {  	[sflag:s28] =	ssyncadd.s32 @p0 $0xFFFFD800;
	s28 =	sshrl.u32 @!p0 s29, $0x3  }
0x32: {  	s30 =	simm.s32 @!p0 $0x13C00;
	s29 =	simm.s32 @!p0 $0x0;
	s28 =	sadd.s32 @!p0 s6, s28  }
0x33: {  	[tilespmem:s30], [sflag:$0x3] =	stream.linear.gather @!p0 [hbm4b:s28+s29], $0x100, $0x38;
	[tilespmem:$0x18E00] =	vst v63  }
0x34: {  	s28 =	simm.s32 @!p0 $0x3  }
0x35: {  	_ =	swait.ge @!p0 [sflag:s28], $0x100  }
0x36: {  	[sflag:s28] =	ssyncset.done @!p0 $0x0  }
0x37: {  	s31 =	simm.s32 @!p0 $0x13E00;
	[sflag:s28] =	ssyncadd.s32 @!p0 $0xFFFFFF00;
	s28 =	simm.s32 @!p0 $0x50  }
0x38: {  	[tilespmem:s31], [sflag:$0x1] =	stream.indirect.gather @!p0 [hbm4b:s5+s28], $0x80, s30, s28, $0xb8;
	[tilespmem:$0x18E00] =	vst v63  }
0x39: {  	s30 =	simm.s32 @!p0 $0x2  }
0x3a: {  	_ =	swait.ge @!p0 [sflag:s30], $0x2800  }
0x3b: {  	[sflag:s30] =	ssyncset.done @!p0 $0x0  }
0x3c: {  	s31 =	simm.s32 @!p0 $0x16600;
	[sflag:s30] =	ssyncadd.s32 @!p0 $0xFFFFD800;
	s30 =	simm.s32 @!p0 $0x13D80  }
0x3d: {  	[spmem:s2] =	stream.indirect.scatter.add.f32 @!p0 [tilespmem:s31], [sflag:$0x5], $0x80, s30, s28, $0xb8;
	[tilespmem:$0x18E00] =	vst v63  }
0x3e: {  	s28 =	simm.s32 @!p0 $0x5  }
0x3f: {  	s31 =	sxor.u32 s25, s4;
	_ =	swait.ge @!p0 [sflag:s28], $0x2800  }
0x40: {  	s30 =	sshrl.u32 @!p0 s26, $0x3;
	p1 =	sne.s32 s31, $0x3F;
	[sflag:s28] =	ssyncset.done @!p0 $0x0  }
0x41: {  	[sflag:s28] =	ssyncadd.s32 @!p0 $0xFFFFD800;
	s28 =	sadd.s32 @!p0 s6, s30;
	s30 =	simm.s32 @!p0 $0x13D00  }
0x42: {  	[tilespmem:s30], [sflag:$0x4] =	stream.linear.gather @!p0 [hbm4b:s28+s29], $0x100, $0x38;
	[tilespmem:$0x18E00] =	vst v63  }
.Ltmp0:
0x43: {  	_ = 	snop;
	(pc) =	sbr.rel @p1 .LBB2_2-.Ltmp0, $4  }
0x44: {  	s28 =	simm.s32 @!p0 $0x4  }
0x45: {  	_ =	swait.ge @!p0 [sflag:s28], $0x100  }
0x46: {  	[sflag:s28] =	ssyncset.done @!p0 $0x0  }
0x47: {  	s26 =	sadd.s32 $0x200, s26;
	s25 =	sadd.s32 $0x1, s25;
	[sflag:s28] =	ssyncadd.s32 @!p0 $0xFFFFFF00  }
0x48: {  	s24 =	sadd.s32 $0x1, s24  }
0x49: {  	p0 =	sne.s32 s24, s13  }
.Ltmp1:
0x4a: {  	[bflag:$0x0] =	sbarrier.arrive $0xFFFF;
	(pc) =	sbr.rel @p0 .LBB2_1-.Ltmp1, $4  }
0x4b: {  	[hbm:s12], [sflag:s9] =	dma.local [spmem:s15], $0x2780  }
0x4c: {  	_ =	swait.ge [sflag:s16], $0x2780  }
0x4d: {  	[sflag:s16] =	ssyncset.done $0x0  }
0x4e: {  	[sflag:s16] =	ssyncadd.s32 $0xFFFFD880  }
0x4f: {  	_ =	sfence.sel $0x180000  }
0x50: {  	[bflag:$0x0] =	sbarrier.arrive $0xFFFF  }
0x51: {  	p0 =	sne.s32 s1, $0x0;
	_ =	strace $0x9000004A  }
0x52: {  	s0 =	sadd.s32 @!p0 $0x100000, s0;
	[bflag:$0x2] =	sbarrier.arrive $0xFFFF  }
0x53: {  	[sflag:s0] =	ssyncadd.tile.s32 @!p0 $0x1;
	_ =	shalt  }
.Lfunc_end2:
_tile_overlayer_lowered:
.L_overlay_start_2:
0x54: {  	(tag) =	ssettag $0x2  }
0x55: {  	s0 =	rddreg [dreg:$0x0];
	s2 =	stileid.u32  }
0x56: {  	s1 =	rddreg [dreg:$0x1];
	p0 =	sne.s32 s2, $0x0  }
0x57: {  	s3 =	rddreg [dreg:$0x2];
	[bflag:$0x3] =	sbarrier.arrive $0xFFFF;
	s2 =	simm.s32 @!p0 $0x1C05  }
0x58: {  	[timem:s3], [sflag:s2] =	dma.local @!p0 [hbm:s0], s1  }
0x59: {  	s0 =	simm.s32 @!p0 $0x5  }
0x5a: {  	_ =	swait.ge @!p0 [sflag:s0], s1  }
0x5b: {  	s1 =	ssub.s32 @!p0 $0x0, s1;
	[sflag:s0] =	ssyncset.done @!p0 $0x0  }
0x5c: {  	[sflag:s0] =	ssyncadd.s32 @!p0 s1  }
0x5d: {  	[bflag:$0x3] =	sbarrier.arrive $0xFFFF  }
0x5e: {  	_ =	shalt  }

// kernel: kernel.8.cloned.1.call-start
scs
__scs_entry_jumppad:
0x0: {  	(pc) =	sbr.rel $0x88, $3  }
0x1: {  	(tag) =	ssettag $0x0;
	lr =	simm.s32 $0x1  }
0x2: {  	[smem:$0x3F96] =	sst lr;
	_ =	strace $0xD0000000  }
0x3: {  	_ = 	snop  }
0x4: {  	_ = 	snop  }
0x5: {  	_ = 	snop  }
0x6: {  	_ = 	snop  }
0x7: {  	_ = 	snop  }
__scs_overlays_trampoline_lowered:
0x8: {  	[smem:$0x3FA5] =	sst s0  }
0x9: {  	[smem:$0x3FA6] =	sst s1  }
0xa: {  	[smem:$0x3FA7] =	sst s2  }
0xb: {  	[smem:$0x3FA8] =	sst s3  }
0xc: {  	[smem:$0x3FA9] =	sst s4  }
0xd: {  	[smem:$0x3FAA] =	sst s5  }
0xe: {  	[smem:$0x3FAB] =	sst s6  }
0xf: {  	[smem:$0x3FAC] =	sst s7  }
0x10: {  	[smem:$0x3FAD] =	sst s8  }
0x11: {  	[smem:$0x3FAE] =	sst s9;
	s0 =	simm.s32 @!p0 $0x0  }
0x12: {  	s1 =	sld [smem:$0x3F94];
	s0 =	simm.s32 @p0 $0x1  }
0x13: {  	[smem:$0x3FAF] =	sst s0;
	s0 =	simm.s32 @!p1 $0x0  }
0x14: {  	s2 =	sld [smem:$0x3F93];
	s0 =	simm.s32 @p1 $0x1  }
0x15: {  	[smem:$0x3FB0] =	sst s0;
	s0 =	simm.s32 @!p2 $0x0  }
0x16: {  	s3 =	sld [smem:$0x3FDB];
	s0 =	simm.s32 @p2 $0x1  }
0x17: {  	s4 =	simm.s32 $0x1BF5;
	[smem:$0x3FB2] =	sst s0  }
0x18: {  	s0 =	sld [smem:$0x3F95];
	_ =	swait.ge [sflag:s4], $0x0  }
0x19: {  	s7 =	sld [smem:$0x3F96]  }
0x1a: {  	s8 =	sadd.s32 $0xFFFFE003, lr  }
0x1b: {  	s9 =	sadd.s32 $0xFFFFFEF7, lr;
	s5 =	simm.s32 $0xFFFFFFFF;
	p2 =	slt.u32 s8, $0xFFFFF086  }
0x1c: {  	p1 =	slt.u32 s9, $0xF7A;
	s5 =	simm.s32 @!p2 $0x0  }
0x1d: {  	s5 =	simm.s32 @p1 $0x1;
	p0 =	seq.s32 s7, s2  }
0x1e: {  	s7 =	smul.u32 @!p0 $0xF7A, s2;
	p2 =	seq.s32 @!p0 s5, $0x0  }
0x1f: {  	s9 =	smul.u32 $0xF7A, s1;
	s8 =	simm.s32 @!p0 $0x1BF5;
	p2 =	por !p2, p0  }
0x20: {  	[sflag:s8] =	ssyncset.s32 @!p0 $0xFFFFF086;
	s6 =	sadd.s32 @!p0 s3, s7;
	s7 =	simm.s32 @!p0 $0x108  }
0x21: {  	s3 =	sadd.s32 s3, s9;
	s6 =	sadd.s32 @!p0 $0x88, s6;
	s7 =	simm.s32 @p2 $0x1082  }
0x22: {  	[simem:s7], [sflag:s8] =	dma.local @!p0 [hbm:s6], $0xF7A  }
0x23: {  	s9 =	sor.u32 $0xD0000000, s2;
	s6 =	simm.s32 $0x108;
	_ =	swait.ge @!p0 [sflag:s8], $0x0  }
0x24: {  	s3 =	sadd.s32 $0x88, s3;
	s6 =	simm.s32 @!p1 $0x1082;
	[sflag:s4] =	ssyncset.s32 $0xFFFFF086  }
0x25: {  	[simem:s6], [sflag:s4] =	dma.local [hbm:s3], $0xF7A  }
0x26: {  	[smem:$0x3F96] =	sst s1;
	(tag) =	ssettag s2;
	_ =	strace s9  }
0x27: {  	s1 =	sld [smem:$0x3FA6]  }
0x28: {  	s2 =	sld [smem:$0x3FA7]  }
0x29: {  	s4 =	sld [smem:$0x3FA9]  }
0x2a: {  	p0 =	seq.s32 s5, $0x0;
	s5 =	sld [smem:$0x3FAA]  }
0x2b: {  	s6 =	sld [smem:$0x3FAB]  }
0x2c: {  	s7 =	sld [smem:$0x3FAC]  }
0x2d: {  	s3 =	simm.s32 $0x108;
	s8 =	sld [smem:$0x3FAD]  }
0x2e: {  	s3 =	simm.s32 @!p0 $0x1082;
	s9 =	sld [smem:$0x3FAE]  }
0x2f: {  	lr =	sadd.s32 s0, s3;
	s0 =	sld [smem:$0x3FA5]  }
0x30: {  	s3 =	sld [smem:$0x3FA8]  }
0x31: {  	[smem:$0x3FB1] =	sst s10  }
0x32: {  	s10 =	sld [smem:$0x3FAF];
	_ =	sdelay $0x3  }
0x33: {  	p0 =	seq.s32 s10, $0x1;
	s10 =	sld [smem:$0x3FB1];
	_ =	sdelay $0x3  }
0x34: {  	[smem:$0x3FB1] =	sst s10  }
0x35: {  	s10 =	sld [smem:$0x3FB0];
	_ =	sdelay $0x3  }
0x36: {  	p1 =	seq.s32 s10, $0x1;
	s10 =	sld [smem:$0x3FB1];
	_ =	sdelay $0x3  }
0x37: {  	[smem:$0x3FB1] =	sst s10  }
0x38: {  	s10 =	sld [smem:$0x3FB2]  }
0x39: {  	_ = 	snop;
	(pc) =	sbr.ind lr, $3  }
0x3a: {  	_ = 	snop  }
0x3b: {  	_ = 	snop  }
0x3c: {  	p2 =	seq.s32 s10, $0x1;
	s10 =	sld [smem:$0x3FB1]  }
0x3d: {  	_ =	shalt  }
0x3e: {  	_ =	shalt  }
0x3f: {  	_ =	shalt  }
0x40: {  	_ =	shalt  }
0x41: {  	_ =	shalt  }
0x42: {  	_ =	shalt  }
0x43: {  	_ =	shalt  }
0x44: {  	_ =	shalt  }
0x45: {  	_ =	shalt  }
0x46: {  	_ =	shalt  }
0x47: {  	_ =	shalt  }
0x48: {  	_ =	shalt  }
0x49: {  	_ =	shalt  }
0x4a: {  	_ =	shalt  }
0x4b: {  	_ =	shalt  }
0x4c: {  	_ =	shalt  }
0x4d: {  	_ =	shalt  }
0x4e: {  	_ =	shalt  }
0x4f: {  	_ =	shalt  }
0x50: {  	_ =	shalt  }
0x51: {  	_ =	shalt  }
0x52: {  	_ =	shalt  }
0x53: {  	_ =	shalt  }
0x54: {  	_ =	shalt  }
0x55: {  	_ =	shalt  }
0x56: {  	_ =	shalt  }
0x57: {  	_ =	shalt  }
0x58: {  	_ =	shalt  }
0x59: {  	_ =	shalt  }
0x5a: {  	_ =	shalt  }
0x5b: {  	_ =	shalt  }
0x5c: {  	_ =	shalt  }
0x5d: {  	_ =	shalt  }
0x5e: {  	_ =	shalt  }
0x5f: {  	_ =	shalt  }
0x60: {  	_ =	shalt  }
0x61: {  	_ =	shalt  }
0x62: {  	_ =	shalt  }
0x63: {  	_ =	shalt  }
0x64: {  	_ =	shalt  }
0x65: {  	_ =	shalt  }
0x66: {  	_ =	shalt  }
0x67: {  	_ =	shalt  }
0x68: {  	_ =	shalt  }
0x69: {  	_ =	shalt  }
0x6a: {  	_ =	shalt  }
0x6b: {  	_ =	shalt  }
0x6c: {  	_ =	shalt  }
0x6d: {  	_ =	shalt  }
0x6e: {  	_ =	shalt  }
0x6f: {  	_ =	shalt  }
0x70: {  	_ =	shalt  }
0x71: {  	_ =	shalt  }
0x72: {  	_ =	shalt  }
0x73: {  	_ =	shalt  }
0x74: {  	_ =	shalt  }
0x75: {  	_ =	shalt  }
0x76: {  	_ =	shalt  }
0x77: {  	_ =	shalt  }
0x78: {  	_ =	shalt  }
0x79: {  	_ =	shalt  }
0x7a: {  	_ =	shalt  }
0x7b: {  	_ =	shalt  }
0x7c: {  	_ =	shalt  }
0x7d: {  	_ =	shalt  }
0x7e: {  	_ =	shalt  }
0x7f: {  	_ =	shalt  }
0x80: {  	_ =	shalt  }
0x81: {  	_ =	shalt  }
0x82: {  	_ =	shalt  }
0x83: {  	_ =	shalt  }
0x84: {  	_ =	shalt  }
0x85: {  	_ =	shalt  }
0x86: {  	_ =	shalt  }
0x87: {  	_ =	shalt  }
.Lfunc_end0:
.L_simem_size_0:
called_computation_lowered:
.L_overlay_start_0:
0x88: {  	s2 =	sld [smem:$0x3FD9]  }
0x89: {  	s3 =	sld [smem:$0x3FFE];
	_ =	sdelay $0x1  }
0x8a: {  	s1 =	srdreg.scid  }
0x8b: {  	s0 =	sand.u32 $0x1, s1  }
0x8c: {  	s16 =	sshll.u32 s0, $0xA;
	s2 =	sadd.s32 s3, s2  }
0x8d: {  	s2 =	sadd.s32 s2, s16  }
0x8e: {  	[smem:$0x3FBD] =	sst s2  }
0x8f: {  	_ = 	snop  }
0x90: {  	(tm) =	ssettm $0x1  }
0x91: {  	s17 =	sld [smem:$0x3FFB];
	_ =	sdelay $0x3  }
0x92: {  	_ =	strace s17  }
0x93: {  	s2 =	sld [smem:$0x3FFC];
	_ =	sdelay $0x3  }
0x94: {  	_ =	strace s2  }
0x95: {  	s2 =	sld [smem:$0x3FFD];
	_ =	sdelay $0x3  }
0x96: {  	_ =	strace s2  }
0x97: {  	_ =	strace $0x8FFFFFFF  }
0x98: {  	s18 =	sld [smem:$0x3FDB];
	_ =	sdelay $0x1  }
0x99: {  	s19 =	simm.s32 $_scs_section_size  }
0x9a: {  	s4 =	simm.s32 $_size__tile_overlayer_lowered;
	s5 =	simm.s32 $_tile_overlayer_lowered  }
0x9b: {  	s22 =	simm.s32 $0x1BFF;
	s21 =	sshll.u32 s5, $0x1;
	s2 =	sadd.s32 s19, s18  }
0x9c: {  	s6 =	simm.s32 $0x0;
	s20 =	sshll.u32 s4, $0x1;
	s4 =	sadd.s32 s21, s2  }
0x9d: {  	[timem:s6], [sflag:s22] =	dma.local [hbm:s4], s20  }
0x9e: {  	_ =	swait.ge [sflag:s22], s20  }
0x9f: {  	s3 =	ssub.s32 $0x0, s20;
	[sflag:s22] =	ssyncset.done $0x0  }
0xa0: {  	[sflag:s22] =	ssyncadd.s32 s3;
	_ =	sdelay $0x1  }
0xa1: {  	s23 =	simm.s32 $0x1B8B  }
0xa2: {  	_ =	swait.ge [sflag:s23], $0x1  }
0xa3: {  	[sflag:s23] =	ssyncset.done $0x0  }
0xa4: {  	s25 =	simm.s32 $0x1B8E;
	s24 =	sld [smem:$0x3FFE];
	[sflag:s23] =	ssyncadd.s32 $0xFFFFFFFF  }
0xa5: {  	s26 =	simm.s32 $execute0_lowered;
	[smem:$0x3FD2] =	sst s25  }
0xa6: {  	s4 =	sshll.u32 s26, $0x1;
	_ =	strace $0x80000046;
	[dreg:$0x1] =	wrdreg $0xFFFFFFFF  }
0xa7: {  	s28 =	simm.s32 $_size_execute0_lowered;
	s2 =	sadd.s32 s2, s4;
	[dreg:$0x0] =	wrdreg $0x0  }
0xa8: {  	s4 =	sshll.u32 s28, $0x1;
	[dreg:$0x2] =	wrdreg s2  }
0xa9: {  	[dreg:$0x3] =	wrdreg s4  }
0xaa: {  	[dreg:$0x4] =	wrdreg $0xC0  }
0xab: {  	_ =	task [dreg:s6], $0x5FFFF  }
0xac: {  	[dreg:$0x1] =	wrdreg $0xFFFFFFFF  }
0xad: {  	[dreg:$0x0] =	wrdreg $0x60  }
0xae: {  	[dreg:$0x2] =	wrdreg s24  }
0xaf: {  	[dreg:$0x3] =	wrdreg $0x0  }
0xb0: {  	[dreg:$0x4] =	wrdreg $0x9  }
0xb1: {  	_ =	task.clear_ibuf [dreg:s6], $0x5FFFF;
	_ =	strace $0x90000046  }
0xb2: {  	s29 =	simm.s32 $0x9;
	_ =	strace $0x80000048  }
0xb3: {  	_ =	swait.ge [sflag:s29], $0x1  }
0xb4: {  	[sflag:s29] =	ssyncadd.s32 $0xFFFFFFFF  }
0xb5: {  	_ =	strace $0x90000048  }
0xb6: {  	_ =	sfence  }
0xb7: {  	s30 =	sld [smem:$0x0];
	_ =	sdelay $0x2  }
0xb8: {  	s31 =	sshll.u32 s1, $0xD;
	s1 =	sshrl.u32 s1, $0x2  }
0xb9: {  	s3 =	sand.u32 $0x4000, s31;
	s1 =	sadd.s32 s1, s30  }
0xba: {  	s0 =	sor.u32 s3, s0;
	s1 =	sshll.u32 s1, $0x11  }
0xbb: {  	s0 =	sor.u32 s1, s0  }
0xbc: {  	s0 =	sadd.s32 $0x8F2B, s0  }
0xbd: {  	[sflag:s0] =	ssyncadd.remote.s32 $0x1  }
0xbe: {  	_ =	sfence.sel $0xFFFF  }
0xbf: {  	[dreg:$0x0] =	wrdreg $0xFFFFFFFF;
	(pc) =	sbr.abs _section_cstart, $3  }
0xc0: {  	[dreg:$0x1] =	wrdreg $0xFFFFFFFF  }
0xc1: {  	_ =	task.clear_ibuf [dreg:s6], $0x2FFFF;
	_ =	strace $0x9FFFFFFF  }
0xc2: {  	(tm) =	ssettm $0x7FFFFFFF  }
0xc3: {  	_ =	shalt  }
tec
execute0_lowered:
.L_overlay_start_1:
0x0: {  	(tag) =	ssettag $0x1  }
0x1: {  	s7 =	rddreg [dreg:$0x0]  }
0x2: {  	s2 =	rddreg [dreg:$0x1]  }
0x3: {  	s0 =	rddreg [dreg:$0x2];
	s3 =	simm.s32 $0x0;
	s1 =	stileid.u32  }
0x4: {  	s4 =	srdreg.scid;
	s18 =	simm.s32 $0x13D00;
	s19 =	simm.s32 $0x50  }
0x5: {  	s20 =	simm.s32 $0x13E00;
	s21 =	simm.s32 $0x1;
	s22 =	simm.s32 $0x16600  }
0x6: {  	s23 =	simm.s32 $0x13C80;
	s24 =	simm.s32 $0x0;
	s8 =	smul.u32 $0x13C00, s1  }
0x7: {  	[smem:$0x7FF] =	sst s3;
	s4 =	sand.u32 $0x1, s4;
	s12 =	smul.u32 $0x4F000, s1  }
0x8: {  	s5 =	sadd.s32 $0x21200, s7;
	s6 =	sadd.s32 $0x1A00, s7;
	s16 =	smul.u32 $0xFC00, s1  }
0x9: {  	s26 =	sshll.u32 s1, $0x1;
	s30 =	sshll.u32 s1, $0x6;
	s9 =	smul.u32 $0x13C000, s4  }
0xa: {  	_ =	strace $0x80000047;
	s11 =	ssub.s32 $0x2, s4;
	s17 =	smul.u32 $0x7E00, s4  }
0xb: {  	s10 =	sshrl.u32 s8, $0x3;
	s13 =	sshrl.u32 s11, $0x1;
	s28 =	sshrl.u32 s12, $0x2  }
0xc: {  	s10 =	sadd.s32 s10, s7;
	s8 =	sadd.s32 s8, s9;
	s9 =	sor.u32 s4, s26  }
0xd: {  	s13 =	ssub.s32 s11, s13;
	s15 =	sadd.s32 s28, s2;
	s11 =	ssub.s32 $0x3E, s4  }
0xe: {  	s31 =	sadd.s32 s17, s16;
	s16 =	simm.s32 $0x5;
	s9 =	smul.u32 $0x7E00, s9  }
0xf: {  	s17 =	simm.s32 $0x13C00;
	s8 =	sshrl.u32 s8, $0x3;
	s13 =	smax.u32 s13, $0x1  }
0x10: {  	s15 =	sshrl.u32 s15, $0x3;
	s14 =	sadd.s32 s8, s7;
	s29 =	sshrl.u32 s9, $0x3  }
0x11: {  	s8 =	sadd.s32 $0x48400, s10;
	s9 =	sor.u32 $0x1C05, s30;
	s7 =	sadd.s32 s6, s29  }
0x12: {  	s12 =	sadd.s32 $0x6FC00, s14;
	s14 =	sadd.s32 $0x300, s31;
	s10 =	sadd.s32 $0x20, s7  }
.LBB2_1:
0x13: {  	[spmem:s15], [sflag:s9] =	dma.local [hbm:s8], $0x2780  }
0x14: {  	_ =	swait.ge [sflag:s16], $0x2780  }
0x15: {  	[sflag:s16] =	ssyncset.done $0x0  }
0x16: {  	[sflag:s16] =	ssyncadd.s32 $0xFFFFD880  }
0x17: {  	[bflag:$0x0] =	sbarrier.arrive $0xFFFF  }
0x18: {  	[tilespmem:s17], [sflag:$0x5] =	stream.linear.gather [hbm4b:s7+s3], $0x100, $0x38;
	[tilespmem:$0x18E00] =	vst v63  }
0x19: {  	_ =	swait.ge [sflag:s16], $0x100  }
0x1a: {  	[sflag:s16] =	ssyncset.done $0x0  }
0x1b: {  	[sflag:s16] =	ssyncadd.s32 $0xFFFFFF00  }
0x1c: {  	[tilespmem:s18], [sflag:$0x5] =	stream.linear.gather [hbm4b:s10+s3], $0x100, $0x38;
	[tilespmem:$0x18E00] =	vst v63  }
0x1d: {  	_ =	swait.ge [sflag:s16], $0x100  }
0x1e: {  	[sflag:s16] =	ssyncset.done $0x0  }
0x1f: {  	s25 =	simm.s32 $0x1;
	s26 =	smov.u32 s14;
	[sflag:s16] =	ssyncadd.s32 $0xFFFFFF00  }
0x20: {  	[tilespmem:s20], [sflag:$0x1] =	stream.indirect.gather [hbm4b:s5+s19], $0x80, s17, s19, $0xb8;
	[tilespmem:$0x18E00] =	vst v63  }
.LBB2_2:
0x21: {  	_ =	swait.ge [sflag:s21], $0x2800  }
0x22: {  	[sflag:s21] =	ssyncset.done $0x0  }
0x23: {  	[sflag:s21] =	ssyncadd.s32 $0xFFFFD800  }
0x24: {  	[tilespmem:s22], [sflag:$0x2] =	stream.indirect.gather [hbm4b:s5+s19], $0x80, s18, s19, $0xb8;
	[tilespmem:$0x18E00] =	vst v63  }
0x25: {  	_ = 	snop  }
0x26: {  	[spmem:s2] =	stream.indirect.scatter.add.f32 [tilespmem:s20], [sflag:$0x5], $0x80, s23, s19, $0xb8;
	[tilespmem:$0x18E00] =	vst v63  }
0x27: {  	s28 =	sadd.s32 $0xFFFFFFFF, s25;
	_ =	swait.ge [sflag:s16], $0x2800  }
0x28: {  	p0 =	sge.u32 s28, s11;
	[sflag:s16] =	ssyncset.done $0x0  }
0x29: {  	s28 =	simm.s32 @p0 $0x2;
	[sflag:s16] =	ssyncadd.s32 $0xFFFFD800  }
0x2a: {  	_ =	swait.ge @p0 [sflag:s28], $0x2800  }
0x2b: {  	s29 =	simm.s32 @p0 $0x13D80;
	[sflag:s28] =	ssyncset.done @p0 $0x0  }
0x2c: {  	s30 =	simm.s32 @p0 $0x16600;
	[sflag:s28] =	ssyncadd.s32 @p0 $0xFFFFD800;
	s28 =	simm.s32 @p0 $0x50  }
0x2d: {  	[spmem:s2] =	stream.indirect.scatter.add.f32 @p0 [tilespmem:s30], [sflag:$0x5], $0x80, s29, s28, $0xb8;
	[tilespmem:$0x18E00] =	vst v63  }
0x2e: {  	s28 =	simm.s32 @p0 $0x5  }
0x2f: {  	_ =	swait.ge @p0 [sflag:s28], $0x2800  }
0x30: {  	s29 =	sadd.s32 @!p0 $0xFFFFFF00, s26;
	[sflag:s28] =	ssyncset.done @p0 $0x0  }
0x31: {  	[sflag:s28] =	ssyncadd.s32 @p0 $0xFFFFD800;
	s28 =	sshrl.u32 @!p0 s29, $0x3  }
0x32: {  	s30 =	simm.s32 @!p0 $0x13C00;
	s29 =	simm.s32 @!p0 $0x0;
	s28 =	sadd.s32 @!p0 s6, s28  }
0x33: {  	[tilespmem:s30], [sflag:$0x3] =	stream.linear.gather @!p0 [hbm4b:s28+s29], $0x100, $0x38;
	[tilespmem:$0x18E00] =	vst v63  }
0x34: {  	s28 =	simm.s32 @!p0 $0x3  }
0x35: {  	_ =	swait.ge @!p0 [sflag:s28], $0x100  }
0x36: {  	[sflag:s28] =	ssyncset.done @!p0 $0x0  }
0x37: {  	s31 =	simm.s32 @!p0 $0x13E00;
	[sflag:s28] =	ssyncadd.s32 @!p0 $0xFFFFFF00;
	s28 =	simm.s32 @!p0 $0x50  }
0x38: {  	[tilespmem:s31], [sflag:$0x1] =	stream.indirect.gather @!p0 [hbm4b:s5+s28], $0x80, s30, s28, $0xb8;
	[tilespmem:$0x18E00] =	vst v63  }
0x39: {  	s30 =	simm.s32 @!p0 $0x2  }
0x3a: {  	_ =	swait.ge @!p0 [sflag:s30], $0x2800  }
0x3b: {  	[sflag:s30] =	ssyncset.done @!p0 $0x0  }
0x3c: {  	s31 =	simm.s32 @!p0 $0x16600;
	[sflag:s30] =	ssyncadd.s32 @!p0 $0xFFFFD800;
	s30 =	simm.s32 @!p0 $0x13D80  }
0x3d: {  	[spmem:s2] =	stream.indirect.scatter.add.f32 @!p0 [tilespmem:s31], [sflag:$0x5], $0x80, s30, s28, $0xb8;
	[tilespmem:$0x18E00] =	vst v63  }
0x3e: {  	s28 =	simm.s32 @!p0 $0x5  }
0x3f: {  	s31 =	sxor.u32 s25, s4;
	_ =	swait.ge @!p0 [sflag:s28], $0x2800  }
0x40: {  	s30 =	sshrl.u32 @!p0 s26, $0x3;
	p1 =	sne.s32 s31, $0x3F;
	[sflag:s28] =	ssyncset.done @!p0 $0x0  }
0x41: {  	[sflag:s28] =	ssyncadd.s32 @!p0 $0xFFFFD800;
	s28 =	sadd.s32 @!p0 s6, s30;
	s30 =	simm.s32 @!p0 $0x13D00  }
0x42: {  	[tilespmem:s30], [sflag:$0x4] =	stream.linear.gather @!p0 [hbm4b:s28+s29], $0x100, $0x38;
	[tilespmem:$0x18E00] =	vst v63  }
.Ltmp0:
0x43: {  	_ = 	snop;
	(pc) =	sbr.rel @p1 .LBB2_2-.Ltmp0, $4  }
0x44: {  	s28 =	simm.s32 @!p0 $0x4  }
0x45: {  	_ =	swait.ge @!p0 [sflag:s28], $0x100  }
0x46: {  	[sflag:s28] =	ssyncset.done @!p0 $0x0  }
0x47: {  	s26 =	sadd.s32 $0x200, s26;
	s25 =	sadd.s32 $0x1, s25;
	[sflag:s28] =	ssyncadd.s32 @!p0 $0xFFFFFF00  }
0x48: {  	s24 =	sadd.s32 $0x1, s24  }
0x49: {  	p0 =	sne.s32 s24, s13  }
.Ltmp1:
0x4a: {  	[bflag:$0x0] =	sbarrier.arrive $0xFFFF;
	(pc) =	sbr.rel @p0 .LBB2_1-.Ltmp1, $4  }
0x4b: {  	[hbm:s12], [sflag:s9] =	dma.local [spmem:s15], $0x2780  }
0x4c: {  	_ =	swait.ge [sflag:s16], $0x2780  }
0x4d: {  	[sflag:s16] =	ssyncset.done $0x0  }
0x4e: {  	[sflag:s16] =	ssyncadd.s32 $0xFFFFD880  }
0x4f: {  	_ =	sfence.sel $0x180000  }
0x50: {  	[bflag:$0x0] =	sbarrier.arrive $0xFFFF  }
0x51: {  	p0 =	sne.s32 s1, $0x0;
	_ =	strace $0x90000047  }
0x52: {  	s0 =	sadd.s32 @!p0 $0x100000, s0;
	[bflag:$0x2] =	sbarrier.arrive $0xFFFF  }
0x53: {  	[sflag:s0] =	ssyncadd.tile.s32 @!p0 $0x1;
	_ =	shalt  }
.Lfunc_end2:
_tile_overlayer_lowered:
.L_overlay_start_2:
0x54: {  	(tag) =	ssettag $0x2  }
0x55: {  	s0 =	rddreg [dreg:$0x0];
	s2 =	stileid.u32  }
0x56: {  	s1 =	rddreg [dreg:$0x1];
	p0 =	sne.s32 s2, $0x0  }
0x57: {  	s3 =	rddreg [dreg:$0x2];
	[bflag:$0x3] =	sbarrier.arrive $0xFFFF;
	s2 =	simm.s32 @!p0 $0x1C05  }
0x58: {  	[timem:s3], [sflag:s2] =	dma.local @!p0 [hbm:s0], s1  }
0x59: {  	s0 =	simm.s32 @!p0 $0x5  }
0x5a: {  	_ =	swait.ge @!p0 [sflag:s0], s1  }
0x5b: {  	s1 =	ssub.s32 @!p0 $0x0, s1;
	[sflag:s0] =	ssyncset.done @!p0 $0x0  }
0x5c: {  	[sflag:s0] =	ssyncadd.s32 @!p0 s1  }
0x5d: {  	[bflag:$0x3] =	sbarrier.arrive $0xFFFF  }
0x5e: {  	_ =	shalt  }

</sc_bundles>
